<compile_context>
chip_gen: v7x
topology: tpu7x:2x2x1
jax: 0.10.2.dev20260603
libtpu: 0.0.44.dev20260713+nightly
codegen_flags: <defaults>
</compile_context>

<pallas_src>
import functools

import jax
import jax.numpy as jnp
from jax import lax
from jax.experimental import pallas as pl
from jax.experimental.pallas import tpu as pltpu
from jax.experimental.pallas import tpu_sc as plsc

N = 10000
E = 320000
D = 128

_NC = 2
_NS = 16
_CH = 80
_EPT = E // (_NC * _NS)
_NCHUNK = _EPT // _CH
_NBUF = 2
_NG = (_NCHUNK - 1) // _NBUF
_RPB = 624
_RTAIL = N - _NS * _RPB


def _sc_agg_body(x_hbm, edges_hbm, zeros_hbm, out_hbm, agg_sh, *scr):
    src_hbm = edges_hbm
    dst_hbm = edges_hbm
    _DOFF = E
    cid = lax.axis_index("c")
    sid = lax.axis_index("s")
    ebase = cid * (E // _NC) + sid * _EPT

    k = 0

    def take(nsets):
        nonlocal k
        n = nsets * _NBUF
        out, k = scr[k:k + n], k + n
        return [list(out[s * _NBUF:(s + 1) * _NBUF]) for s in range(nsets)]

    srcv = take(4)
    dstv = take(4)
    isem = take(4)
    rows = take(2)
    dsem = take(2)

    def start_idx(g, i):
        for b in range(_NBUF):
            base = ebase + (g * _NBUF + b) * _CH
            pltpu.async_copy(src_hbm.at[pl.ds(base, _CH)], srcv[i][b], isem[i][b])
            pltpu.async_copy(dst_hbm.at[pl.ds(E + base, _CH)], dstv[i][b], isem[i][b])

    def wait_idx(i):
        for b in range(_NBUF):
            pltpu.make_async_copy(src_hbm.at[pl.ds(0, _CH)], srcv[i][b], isem[i][b]).wait()
            pltpu.make_async_copy(dst_hbm.at[pl.ds(0, _CH)], dstv[i][b], isem[i][b]).wait()

    def start_gathers(s, i):
        for b in range(_NBUF):
            pltpu.async_copy(x_hbm.at[srcv[i][b]], rows[s][b], dsem[s][b])

    def wait_gather(s, i, b):
        pltpu.make_async_copy(x_hbm.at[srcv[i][b]], rows[s][b], dsem[s][b]).wait()

    def start_scatter(s, i, b):
        pltpu.async_copy(rows[s][b], agg_sh.at[dstv[i][b]], dsem[s][b], add=True)

    def wait_scatter(s, i, b):
        pltpu.make_async_copy(rows[s][b], agg_sh.at[dstv[i][b]], dsem[s][b]).wait()

    row0 = sid * _RPB
    pltpu.sync_copy(zeros_hbm.at[pl.ds(row0, _RPB)], agg_sh.at[pl.ds(row0, _RPB)])

    @pl.when(sid == _NS - 1)
    def _():
        pltpu.sync_copy(zeros_hbm.at[pl.ds(_NS * _RPB, _RTAIL)],
                        agg_sh.at[pl.ds(_NS * _RPB, _RTAIL)])

    start_idx(0, 0)
    start_idx(1, 1)
    wait_idx(0)
    start_gathers(0, 0)

    plsc.subcore_barrier()

    def group_body(g, s, i, first=False):
        o = 1 - s

        def launch_next():
            if not first:
                for b in range(_NBUF):
                    wait_scatter(o, (i + 3) % 4, b)
            wait_idx((i + 1) % 4)
            start_gathers(o, (i + 1) % 4)

        if first:
            launch_next()
        else:
            @pl.when(g + 1 < _NG)
            def _():
                launch_next()

        for b in range(_NBUF):
            wait_gather(s, i, b)
            start_scatter(s, i, b)

        @pl.when(g + 2 < _NG)
        def _():
            start_idx(g + 2, (i + 2) % 4)

    group_body(0, 0, 0, first=True)
    group_body(1, 1, 1)

    def quad(gq, carry):
        g0 = 2 + gq * 4
        group_body(g0, 0, 2)
        group_body(g0 + 1, 1, 3)
        group_body(g0 + 2, 0, 0)
        group_body(g0 + 3, 1, 1)
        return carry

    lax.fori_loop(0, (_NG - 2) // 4, quad, 0)

    for b in range(_NBUF):
        wait_scatter(0, 0, b)
    for b in range(_NBUF):
        wait_scatter(1, 1, b)

    tbase = ebase + (_NCHUNK - 1) * _CH
    pltpu.sync_copy(src_hbm.at[pl.ds(tbase, _CH)], srcv[0][0])
    pltpu.sync_copy(dst_hbm.at[pl.ds(E + tbase, _CH)], dstv[0][0])
    pltpu.async_copy(x_hbm.at[srcv[0][0]], rows[0][0], dsem[0][0]).wait()
    pltpu.sync_copy(rows[0][0], agg_sh.at[dstv[0][0]], add=True)

    plsc.subcore_barrier()

    pltpu.sync_copy(agg_sh.at[pl.ds(row0, _RPB)],
                    out_hbm.at[cid, pl.ds(row0, _RPB)])

    @pl.when(sid == _NS - 1)
    def _():
        pltpu.sync_copy(agg_sh.at[pl.ds(_NS * _RPB, _RTAIL)],
                        out_hbm.at[cid, pl.ds(_NS * _RPB, _RTAIL)])


@functools.partial(jax.jit, static_argnames=())
def _sc_agg(x, edges, zeros):
    mesh = plsc.VectorSubcoreMesh(core_axis_name="c", subcore_axis_name="s")
    scratch = (
        [pltpu.VMEM_SHARED((N, D), jnp.float32)]
        + [pltpu.VMEM((_CH,), jnp.int32) for _ in range(4 * _NBUF)]
        + [pltpu.VMEM((_CH,), jnp.int32) for _ in range(4 * _NBUF)]
        + [pltpu.SemaphoreType.DMA for _ in range(4 * _NBUF)]
        + [pltpu.VMEM((_CH, D), jnp.float32) for _ in range(2 * _NBUF)]
        + [pltpu.SemaphoreType.DMA for _ in range(2 * _NBUF)]
    )
    return pl.kernel(
        _sc_agg_body,
        out_type=jax.ShapeDtypeStruct((_NC, N, D), jnp.float32),
        mesh=mesh,
        scratch_types=scratch,
    )(x, edges, zeros)


def _tc_mlp_body(eps_ref, x_ref, p_ref, W1_ref, b1_ref, g1_ref, be1_ref,
                 W2_ref, b2_ref, g2_ref, be2_ref, out_ref):
    eps = eps_ref[0, 0]
    h = x_ref[...] * (1.0 + eps) + p_ref[0] + p_ref[1]
    h = jnp.dot(h, W1_ref[...], preferred_element_type=jnp.float32) + b1_ref[...]
    mu = jnp.mean(h, axis=0, keepdims=True)
    var = jnp.mean((h - mu) * (h - mu), axis=0, keepdims=True)
    h = (h - mu) * lax.rsqrt(var + 1e-5) * g1_ref[...] + be1_ref[...]
    h = jnp.maximum(h, 0.0)
    h = jnp.dot(h, W2_ref[...], preferred_element_type=jnp.float32) + b2_ref[...]
    mu = jnp.mean(h, axis=0, keepdims=True)
    var = jnp.mean((h - mu) * (h - mu), axis=0, keepdims=True)
    h = (h - mu) * lax.rsqrt(var + 1e-5) * g2_ref[...] + be2_ref[...]
    out_ref[...] = jnp.maximum(h, 0.0)


def _tc_mlp(eps, x, parts, W1, b1, g1, be1, W2, b2, g2, be2):
    smem = pl.BlockSpec(memory_space=pltpu.SMEM)
    vmem = pl.BlockSpec(memory_space=pltpu.VMEM)
    return pl.pallas_call(
        _tc_mlp_body,
        out_shape=jax.ShapeDtypeStruct((N, D), jnp.float32),
        in_specs=[smem] + [vmem] * 10,
        out_specs=vmem,
    )(eps.reshape(1, 1), x, parts,
      W1, b1.reshape(1, D), g1.reshape(1, D), be1.reshape(1, D),
      W2, b2.reshape(1, D), g2.reshape(1, D), be2.reshape(1, D))


def kernel(adj, x, eps1, W11, b11, g11, be11, W12, b12, g12, be12,
           eps2, W21, b21, g21, be21, W22, b22, g22, be22):
    edges = adj.reshape(2 * E)
    zeros = jnp.zeros((N, D), jnp.float32)
    p1 = _sc_agg(x, edges, zeros)
    h = _tc_mlp(eps1, x, p1, W11, b11, g11, be11, W12, b12, g12, be12)
    p2 = _sc_agg(h, edges, zeros)
    h = _tc_mlp(eps2, h, p2, W21, b21, g21, be21, W22, b22, g22, be22)
    return h

# --- scband reference (transcript-rebuilt; emitter-appended) ---
"""Pipeline reference for scband-gin-encoder-49572512530976 (READ-ONLY COPY).

The authoritative reference and input builder live on the scoring server;
editing this copy changes nothing except your own understanding.
"""

import jax, jax.numpy as jnp
import numpy as np

N = 10000
E = 320000
D = 128
H1 = 128
H2 = 128


def _bn(h, g, b):
    mu = jnp.mean(h, axis=0, keepdims=True)
    var = jnp.var(h, axis=0, keepdims=True)
    return (h - mu) / jnp.sqrt(var + 1e-5) * g + b


def _gin_layer(x, src, dst, eps, W1, b1, g1, be1, W2, b2, g2, be2):
    # GIN aggregation: (1 + eps) * x_i + sum_{j in N(i)} x_j
    agg = jax.ops.segment_sum(x[src], dst, num_segments=N)
    h = (1.0 + eps) * x + agg
    # 2-layer MLP with inner BN+ReLU (ApplyNodeFunc-style), then outer BN + activation
    h = h @ W1 + b1
    h = _bn(h, g1, be1)
    h = jax.nn.relu(h)
    h = h @ W2 + b2
    h = _bn(h, g2, be2)
    h = jax.nn.relu(h)
    return h


def setup_inputs(seed: int = 0):
    key = jax.random.key(seed)
    ks = jax.random.split(key, 20)
    x = jax.random.normal(ks[0], (N, D), dtype=jnp.float32)
    adj = jax.random.randint(ks[1], (2, E), 0, N, dtype=jnp.int32)
    s = 1.0 / np.sqrt(D)
    inp = {
        'adj': adj,
        'x': x,
        'eps1': jnp.zeros((), jnp.float32),
        'W11': jax.random.normal(ks[2], (D, H1), jnp.float32) * s,
        'b11': jnp.zeros((H1,), jnp.float32),
        'g11': jnp.ones((H1,), jnp.float32),
        'be11': jnp.zeros((H1,), jnp.float32),
        'W12': jax.random.normal(ks[3], (H1, H1), jnp.float32) * s,
        'b12': jnp.zeros((H1,), jnp.float32),
        'g12': jnp.ones((H1,), jnp.float32),
        'be12': jnp.zeros((H1,), jnp.float32),
        'eps2': jnp.zeros((), jnp.float32),
        'W21': jax.random.normal(ks[4], (H1, H1), jnp.float32) * s,
        'b21': jnp.zeros((H1,), jnp.float32),
        'g21': jnp.ones((H1,), jnp.float32),
        'be21': jnp.zeros((H1,), jnp.float32),
        'W22': jax.random.normal(ks[5], (H1, H2), jnp.float32) * s,
        'b22': jnp.zeros((H2,), jnp.float32),
        'g22': jnp.ones((H2,), jnp.float32),
        'be22': jnp.zeros((H2,), jnp.float32),
    }
    return inp


def reference(adj, x, eps1, W11, b11, g11, be11, W12, b12, g12, be12,
              eps2, W21, b21, g21, be21, W22, b22, g22, be22):
    src = adj[0]
    dst = adj[1]
    h = _gin_layer(x, src, dst, eps1, W11, b11, g11, be11, W12, b12, g12, be12)
    h = _gin_layer(h, src, dst, eps2, W21, b21, g21, be21, W22, b22, g22, be22)
    return h

if __name__ == "__main__":
    import jax
    _d = setup_inputs()
    print(jax.jit(kernel)(*tuple(_d.values())))

</pallas_src>

<mosaic_0001>
#map = affine_map<(d0, d1) -> (0, 0)>
#map1 = affine_map<(d0, d1) -> (0)>
#map2 = affine_map<(d0, d1) -> (0, 0, 0)>
module attributes {stable_mosaic.version = 14 : i64} {
  func.func @_sc_agg_body(%arg0: i32, %arg1: i32, %arg2: memref<10000x128xf32, #tpu.memory_space<hbm>>, %arg3: memref<640000xi32, #tpu.memory_space<hbm>>, %arg4: memref<10000x128xf32, #tpu.memory_space<hbm>>, %arg5: memref<2x10000x128xf32, #tpu.memory_space<hbm>>, %arg6: memref<10000x128xf32, #tpu.memory_space<vmem_shared>>, %arg7: memref<80xi32, #tpu.memory_space<vmem>>, %arg8: memref<80xi32, #tpu.memory_space<vmem>>, %arg9: memref<80xi32, #tpu.memory_space<vmem>>, %arg10: memref<80xi32, #tpu.memory_space<vmem>>, %arg11: memref<80xi32, #tpu.memory_space<vmem>>, %arg12: memref<80xi32, #tpu.memory_space<vmem>>, %arg13: memref<80xi32, #tpu.memory_space<vmem>>, %arg14: memref<80xi32, #tpu.memory_space<vmem>>, %arg15: memref<80xi32, #tpu.memory_space<vmem>>, %arg16: memref<80xi32, #tpu.memory_space<vmem>>, %arg17: memref<80xi32, #tpu.memory_space<vmem>>, %arg18: memref<80xi32, #tpu.memory_space<vmem>>, %arg19: memref<80xi32, #tpu.memory_space<vmem>>, %arg20: memref<80xi32, #tpu.memory_space<vmem>>, %arg21: memref<80xi32, #tpu.memory_space<vmem>>, %arg22: memref<80xi32, #tpu.memory_space<vmem>>, %arg23: memref<!tpu.dma_semaphore, #tpu.memory_space<semaphore_mem>>, %arg24: memref<!tpu.dma_semaphore, #tpu.memory_space<semaphore_mem>>, %arg25: memref<!tpu.dma_semaphore, #tpu.memory_space<semaphore_mem>>, %arg26: memref<!tpu.dma_semaphore, #tpu.memory_space<semaphore_mem>>, %arg27: memref<!tpu.dma_semaphore, #tpu.memory_space<semaphore_mem>>, %arg28: memref<!tpu.dma_semaphore, #tpu.memory_space<semaphore_mem>>, %arg29: memref<!tpu.dma_semaphore, #tpu.memory_space<semaphore_mem>>, %arg30: memref<!tpu.dma_semaphore, #tpu.memory_space<semaphore_mem>>, %arg31: memref<80x128xf32, #tpu.memory_space<vmem>>, %arg32: memref<80x128xf32, #tpu.memory_space<vmem>>, %arg33: memref<80x128xf32, #tpu.memory_space<vmem>>, %arg34: memref<80x128xf32, #tpu.memory_space<vmem>>, %arg35: memref<!tpu.dma_semaphore, #tpu.memory_space<semaphore_mem>>, %arg36: memref<!tpu.dma_semaphore, #tpu.memory_space<semaphore_mem>>, %arg37: memref<!tpu.dma_semaphore, #tpu.memory_space<semaphore_mem>>, %arg38: memref<!tpu.dma_semaphore, #tpu.memory_space<semaphore_mem>>) attributes {dimension_semantics = [#tpu.dimension_semantics<core_parallel>, #tpu.dimension_semantics<subcore_parallel>], iteration_bounds = array<i64: 2, 16>, scalar_prefetch = 0 : i64, scratch_operands = 33 : i64, tpu.core_type = #tpu.core_type<sc_vector_subcore>, window_params = [{transform_indices = #map}, {transform_indices = #map1}, {transform_indices = #map}, {transform_indices = #map2}]} {
    %mul3A = arith.constant 160000 : i32
    %mul3A_0 = arith.muli %arg0, %mul3A : i32
    %mul3A_1 = arith.constant 10000 : i32
    %mul3A_2 = arith.muli %arg1, %mul3A_1 : i32
    %add3A = arith.addi %mul3A_0, %mul3A_2 : i32
    %mul3A_3 = arith.constant 624 : i32
    %mul3A_4 = arith.muli %arg1, %mul3A_3 : i32
    "tpu.region"() ({
      %run_scoped3A = tpu.sem_alloc : memref<!tpu.dma_semaphore, #tpu.memory_space<semaphore_mem>>
      %dma_start3A_198 = arith.constant 0 : i32
      %dma_start3A_199 = tpu.memref_slice %arg6[%mul3A_4, %dma_start3A_198] : memref<10000x128xf32, #tpu.memory_space<vmem_shared>> -> memref<624x128xf32, #tpu.memory_space<vmem_shared>>
      %dma_start3A_200 = arith.constant 0 : i32
      %dma_start3A_201 = tpu.memref_slice %arg4[%mul3A_4, %dma_start3A_200] : memref<10000x128xf32, #tpu.memory_space<hbm>> -> memref<624x128xf32, #tpu.memory_space<hbm>>
      tpu.enqueue_dma source(%dma_start3A_201 : memref<624x128xf32, #tpu.memory_space<hbm>>) target(%dma_start3A_199 : memref<624x128xf32, #tpu.memory_space<vmem_shared>>) target_semaphore(%run_scoped3A : memref<!tpu.dma_semaphore, #tpu.memory_space<semaphore_mem>>)
      %dma_wait3A_202 = arith.constant 0 : i32
      %dma_wait3A_203 = tpu.memref_slice %arg6[%mul3A_4, %dma_wait3A_202] : memref<10000x128xf32, #tpu.memory_space<vmem_shared>> -> memref<624x128xf32, #tpu.memory_space<vmem_shared>>
      %dma_wait3A_204 = arith.constant 0 : i32
      %dma_wait3A_205 = tpu.memref_slice %arg4[%mul3A_4, %dma_wait3A_204] : memref<10000x128xf32, #tpu.memory_space<hbm>> -> memref<624x128xf32, #tpu.memory_space<hbm>>
      tpu.wait_dma2 semaphore(%run_scoped3A : memref<!tpu.dma_semaphore, #tpu.memory_space<semaphore_mem>>) src(%dma_wait3A_205 : memref<624x128xf32, #tpu.memory_space<hbm>>) dst(%dma_wait3A_203 : memref<624x128xf32, #tpu.memory_space<vmem_shared>>)
      tpu.yield
    }) : () -> ()
    %eq3A = arith.constant 15 : i32
    %eq3A_5 = arith.cmpi eq, %arg1, %eq3A : i32
    %convert_element_type3A = arith.extui %eq3A_5 : i1 to i32
    %cond3A = arith.constant 0 : i32
    %cond3A_6 = arith.cmpi ne, %convert_element_type3A, %cond3A : i32
    scf.if %cond3A_6 {
      "tpu.region"() ({
        %run_scoped3A = tpu.sem_alloc : memref<!tpu.dma_semaphore, #tpu.memory_space<semaphore_mem>>
        %dma_start3A_198 = arith.constant 9984 : i32
        %dma_start3A_199 = arith.constant 0 : i32
        %dma_start3A_200 = tpu.memref_slice %arg6[%dma_start3A_198, %dma_start3A_199] : memref<10000x128xf32, #tpu.memory_space<vmem_shared>> -> memref<16x128xf32, #tpu.memory_space<vmem_shared>>
        %dma_start3A_201 = arith.constant 9984 : i32
        %dma_start3A_202 = arith.constant 0 : i32
        %dma_start3A_203 = tpu.memref_slice %arg4[%dma_start3A_201, %dma_start3A_202] : memref<10000x128xf32, #tpu.memory_space<hbm>> -> memref<16x128xf32, #tpu.memory_space<hbm>>
        tpu.enqueue_dma source(%dma_start3A_203 : memref<16x128xf32, #tpu.memory_space<hbm>>) target(%dma_start3A_200 : memref<16x128xf32, #tpu.memory_space<vmem_shared>>) target_semaphore(%run_scoped3A : memref<!tpu.dma_semaphore, #tpu.memory_space<semaphore_mem>>)
        %dma_wait3A_204 = arith.constant 9984 : i32
        %dma_wait3A_205 = arith.constant 0 : i32
        %dma_wait3A_206 = tpu.memref_slice %arg6[%dma_wait3A_204, %dma_wait3A_205] : memref<10000x128xf32, #tpu.memory_space<vmem_shared>> -> memref<16x128xf32, #tpu.memory_space<vmem_shared>>
        %dma_wait3A_207 = arith.constant 9984 : i32
        %dma_wait3A_208 = arith.constant 0 : i32
        %dma_wait3A_209 = tpu.memref_slice %arg4[%dma_wait3A_207, %dma_wait3A_208] : memref<10000x128xf32, #tpu.memory_space<hbm>> -> memref<16x128xf32, #tpu.memory_space<hbm>>
        tpu.wait_dma2 semaphore(%run_scoped3A : memref<!tpu.dma_semaphore, #tpu.memory_space<semaphore_mem>>) src(%dma_wait3A_209 : memref<16x128xf32, #tpu.memory_space<hbm>>) dst(%dma_wait3A_206 : memref<16x128xf32, #tpu.memory_space<vmem_shared>>)
        tpu.yield
      }) : () -> ()
    } else {
    }
    %add3A_7 = arith.constant 0 : i32
    %add3A_8 = arith.addi %add3A, %add3A_7 : i32
    %dma_start3A = tpu.memref_slice %arg3[%add3A_8] : memref<640000xi32, #tpu.memory_space<hbm>> -> memref<80xi32, #tpu.memory_space<hbm>>
    %dma_start3A_9 = tpu.memref_slice %arg3[%add3A_8] : memref<640000xi32, #tpu.memory_space<hbm>> -> memref<80xi32, #tpu.memory_space<hbm>>
    tpu.enqueue_dma source(%dma_start3A_9 : memref<80xi32, #tpu.memory_space<hbm>>) target(%arg7 : memref<80xi32, #tpu.memory_space<vmem>>) target_semaphore(%arg23 : memref<!tpu.dma_semaphore, #tpu.memory_space<semaphore_mem>>)
    %add3A_10 = arith.constant 320000 : i32
    %add3A_11 = arith.addi %add3A_10, %add3A_8 : i32
    %dma_start3A_12 = tpu.memref_slice %arg3[%add3A_11] : memref<640000xi32, #tpu.memory_space<hbm>> -> memref<80xi32, #tpu.memory_space<hbm>>
    %dma_start3A_13 = tpu.memref_slice %arg3[%add3A_11] : memref<640000xi32, #tpu.memory_space<hbm>> -> memref<80xi32, #tpu.memory_space<hbm>>
    tpu.enqueue_dma source(%dma_start3A_13 : memref<80xi32, #tpu.memory_space<hbm>>) target(%arg15 : memref<80xi32, #tpu.memory_space<vmem>>) target_semaphore(%arg23 : memref<!tpu.dma_semaphore, #tpu.memory_space<semaphore_mem>>)
    %add3A_14 = arith.constant 80 : i32
    %add3A_15 = arith.addi %add3A, %add3A_14 : i32
    %dma_start3A_16 = tpu.memref_slice %arg3[%add3A_15] : memref<640000xi32, #tpu.memory_space<hbm>> -> memref<80xi32, #tpu.memory_space<hbm>>
    %dma_start3A_17 = tpu.memref_slice %arg3[%add3A_15] : memref<640000xi32, #tpu.memory_space<hbm>> -> memref<80xi32, #tpu.memory_space<hbm>>
    tpu.enqueue_dma source(%dma_start3A_17 : memref<80xi32, #tpu.memory_space<hbm>>) target(%arg8 : memref<80xi32, #tpu.memory_space<vmem>>) target_semaphore(%arg24 : memref<!tpu.dma_semaphore, #tpu.memory_space<semaphore_mem>>)
    %add3A_18 = arith.constant 320000 : i32
    %add3A_19 = arith.addi %add3A_18, %add3A_15 : i32
    %dma_start3A_20 = tpu.memref_slice %arg3[%add3A_19] : memref<640000xi32, #tpu.memory_space<hbm>> -> memref<80xi32, #tpu.memory_space<hbm>>
    %dma_start3A_21 = tpu.memref_slice %arg3[%add3A_19] : memref<640000xi32, #tpu.memory_space<hbm>> -> memref<80xi32, #tpu.memory_space<hbm>>
    tpu.enqueue_dma source(%dma_start3A_21 : memref<80xi32, #tpu.memory_space<hbm>>) target(%arg16 : memref<80xi32, #tpu.memory_space<vmem>>) target_semaphore(%arg24 : memref<!tpu.dma_semaphore, #tpu.memory_space<semaphore_mem>>)
    %add3A_22 = arith.constant 160 : i32
    %add3A_23 = arith.addi %add3A, %add3A_22 : i32
    %dma_start3A_24 = tpu.memref_slice %arg3[%add3A_23] : memref<640000xi32, #tpu.memory_space<hbm>> -> memref<80xi32, #tpu.memory_space<hbm>>
    %dma_start3A_25 = tpu.memref_slice %arg3[%add3A_23] : memref<640000xi32, #tpu.memory_space<hbm>> -> memref<80xi32, #tpu.memory_space<hbm>>
    tpu.enqueue_dma source(%dma_start3A_25 : memref<80xi32, #tpu.memory_space<hbm>>) target(%arg9 : memref<80xi32, #tpu.memory_space<vmem>>) target_semaphore(%arg25 : memref<!tpu.dma_semaphore, #tpu.memory_space<semaphore_mem>>)
    %add3A_26 = arith.constant 320000 : i32
    %add3A_27 = arith.addi %add3A_26, %add3A_23 : i32
    %dma_start3A_28 = tpu.memref_slice %arg3[%add3A_27] : memref<640000xi32, #tpu.memory_space<hbm>> -> memref<80xi32, #tpu.memory_space<hbm>>
    %dma_start3A_29 = tpu.memref_slice %arg3[%add3A_27] : memref<640000xi32, #tpu.memory_space<hbm>> -> memref<80xi32, #tpu.memory_space<hbm>>
    tpu.enqueue_dma source(%dma_start3A_29 : memref<80xi32, #tpu.memory_space<hbm>>) target(%arg17 : memref<80xi32, #tpu.memory_space<vmem>>) target_semaphore(%arg25 : memref<!tpu.dma_semaphore, #tpu.memory_space<semaphore_mem>>)
    %add3A_30 = arith.constant 240 : i32
    %add3A_31 = arith.addi %add3A, %add3A_30 : i32
    %dma_start3A_32 = tpu.memref_slice %arg3[%add3A_31] : memref<640000xi32, #tpu.memory_space<hbm>> -> memref<80xi32, #tpu.memory_space<hbm>>
    %dma_start3A_33 = tpu.memref_slice %arg3[%add3A_31] : memref<640000xi32, #tpu.memory_space<hbm>> -> memref<80xi32, #tpu.memory_space<hbm>>
    tpu.enqueue_dma source(%dma_start3A_33 : memref<80xi32, #tpu.memory_space<hbm>>) target(%arg10 : memref<80xi32, #tpu.memory_space<vmem>>) target_semaphore(%arg26 : memref<!tpu.dma_semaphore, #tpu.memory_space<semaphore_mem>>)
    %add3A_34 = arith.constant 320000 : i32
    %add3A_35 = arith.addi %add3A_34, %add3A_31 : i32
    %dma_start3A_36 = tpu.memref_slice %arg3[%add3A_35] : memref<640000xi32, #tpu.memory_space<hbm>> -> memref<80xi32, #tpu.memory_space<hbm>>
    %dma_start3A_37 = tpu.memref_slice %arg3[%add3A_35] : memref<640000xi32, #tpu.memory_space<hbm>> -> memref<80xi32, #tpu.memory_space<hbm>>
    tpu.enqueue_dma source(%dma_start3A_37 : memref<80xi32, #tpu.memory_space<hbm>>) target(%arg18 : memref<80xi32, #tpu.memory_space<vmem>>) target_semaphore(%arg26 : memref<!tpu.dma_semaphore, #tpu.memory_space<semaphore_mem>>)
    %dma_wait3A = arith.constant 0 : i32
    %dma_wait3A_38 = tpu.memref_slice %arg3[%dma_wait3A] : memref<640000xi32, #tpu.memory_space<hbm>> -> memref<80xi32, #tpu.memory_space<hbm>>
    %dma_wait3A_39 = arith.constant 0 : i32
    %dma_wait3A_40 = tpu.memref_slice %arg3[%dma_wait3A_39] : memref<640000xi32, #tpu.memory_space<hbm>> -> memref<80xi32, #tpu.memory_space<hbm>>
    tpu.wait_dma2 semaphore(%arg23 : memref<!tpu.dma_semaphore, #tpu.memory_space<semaphore_mem>>) src(%dma_wait3A_40 : memref<80xi32, #tpu.memory_space<hbm>>) dst(%arg7 : memref<80xi32, #tpu.memory_space<vmem>>)
    %dma_wait3A_41 = arith.constant 0 : i32
    %dma_wait3A_42 = tpu.memref_slice %arg3[%dma_wait3A_41] : memref<640000xi32, #tpu.memory_space<hbm>> -> memref<80xi32, #tpu.memory_space<hbm>>
    %dma_wait3A_43 = arith.constant 0 : i32
    %dma_wait3A_44 = tpu.memref_slice %arg3[%dma_wait3A_43] : memref<640000xi32, #tpu.memory_space<hbm>> -> memref<80xi32, #tpu.memory_space<hbm>>
    tpu.wait_dma2 semaphore(%arg23 : memref<!tpu.dma_semaphore, #tpu.memory_space<semaphore_mem>>) src(%dma_wait3A_44 : memref<80xi32, #tpu.memory_space<hbm>>) dst(%arg15 : memref<80xi32, #tpu.memory_space<vmem>>)
    %dma_wait3A_45 = arith.constant 0 : i32
    %dma_wait3A_46 = tpu.memref_slice %arg3[%dma_wait3A_45] : memref<640000xi32, #tpu.memory_space<hbm>> -> memref<80xi32, #tpu.memory_space<hbm>>
    %dma_wait3A_47 = arith.constant 0 : i32
    %dma_wait3A_48 = tpu.memref_slice %arg3[%dma_wait3A_47] : memref<640000xi32, #tpu.memory_space<hbm>> -> memref<80xi32, #tpu.memory_space<hbm>>
    tpu.wait_dma2 semaphore(%arg24 : memref<!tpu.dma_semaphore, #tpu.memory_space<semaphore_mem>>) src(%dma_wait3A_48 : memref<80xi32, #tpu.memory_space<hbm>>) dst(%arg8 : memref<80xi32, #tpu.memory_space<vmem>>)
    %dma_wait3A_49 = arith.constant 0 : i32
    %dma_wait3A_50 = tpu.memref_slice %arg3[%dma_wait3A_49] : memref<640000xi32, #tpu.memory_space<hbm>> -> memref<80xi32, #tpu.memory_space<hbm>>
    %dma_wait3A_51 = arith.constant 0 : i32
    %dma_wait3A_52 = tpu.memref_slice %arg3[%dma_wait3A_51] : memref<640000xi32, #tpu.memory_space<hbm>> -> memref<80xi32, #tpu.memory_space<hbm>>
    tpu.wait_dma2 semaphore(%arg24 : memref<!tpu.dma_semaphore, #tpu.memory_space<semaphore_mem>>) src(%dma_wait3A_52 : memref<80xi32, #tpu.memory_space<hbm>>) dst(%arg16 : memref<80xi32, #tpu.memory_space<vmem>>)
    %dma_start3A_53 = arith.constant 0 : i32
    %dma_start3A_54 = arith.constant 0 : i32
    %dma_start3A_55 = tpu.memref_slice %arg2[%dma_start3A_53, %dma_start3A_54] : memref<10000x128xf32, #tpu.memory_space<hbm>> -> memref<10000x128xf32, #tpu.memory_space<hbm>>
    tpu.enqueue_indirect_dma source(%dma_start3A_55 : memref<10000x128xf32, #tpu.memory_space<hbm>>) target(%arg31 : memref<80x128xf32, #tpu.memory_space<vmem>>) offsets(%arg7 : memref<80xi32, #tpu.memory_space<vmem>>) semaphore(%arg35 : memref<!tpu.dma_semaphore, #tpu.memory_space<semaphore_mem>>)
    %dma_start3A_56 = arith.constant 0 : i32
    %dma_start3A_57 = arith.constant 0 : i32
    %dma_start3A_58 = tpu.memref_slice %arg2[%dma_start3A_56, %dma_start3A_57] : memref<10000x128xf32, #tpu.memory_space<hbm>> -> memref<10000x128xf32, #tpu.memory_space<hbm>>
    tpu.enqueue_indirect_dma source(%dma_start3A_58 : memref<10000x128xf32, #tpu.memory_space<hbm>>) target(%arg32 : memref<80x128xf32, #tpu.memory_space<vmem>>) offsets(%arg8 : memref<80xi32, #tpu.memory_space<vmem>>) semaphore(%arg36 : memref<!tpu.dma_semaphore, #tpu.memory_space<semaphore_mem>>)
    %barrier3A = arith.constant 0 : index
    tpu.barrier barrier_id(%barrier3A)
    %dma_wait3A_59 = arith.constant 0 : i32
    %dma_wait3A_60 = tpu.memref_slice %arg3[%dma_wait3A_59] : memref<640000xi32, #tpu.memory_space<hbm>> -> memref<80xi32, #tpu.memory_space<hbm>>
    %dma_wait3A_61 = arith.constant 0 : i32
    %dma_wait3A_62 = tpu.memref_slice %arg3[%dma_wait3A_61] : memref<640000xi32, #tpu.memory_space<hbm>> -> memref<80xi32, #tpu.memory_space<hbm>>
    tpu.wait_dma2 semaphore(%arg25 : memref<!tpu.dma_semaphore, #tpu.memory_space<semaphore_mem>>) src(%dma_wait3A_62 : memref<80xi32, #tpu.memory_space<hbm>>) dst(%arg9 : memref<80xi32, #tpu.memory_space<vmem>>)
    %dma_wait3A_63 = arith.constant 0 : i32
    %dma_wait3A_64 = tpu.memref_slice %arg3[%dma_wait3A_63] : memref<640000xi32, #tpu.memory_space<hbm>> -> memref<80xi32, #tpu.memory_space<hbm>>
    %dma_wait3A_65 = arith.constant 0 : i32
    %dma_wait3A_66 = tpu.memref_slice %arg3[%dma_wait3A_65] : memref<640000xi32, #tpu.memory_space<hbm>> -> memref<80xi32, #tpu.memory_space<hbm>>
    tpu.wait_dma2 semaphore(%arg25 : memref<!tpu.dma_semaphore, #tpu.memory_space<semaphore_mem>>) src(%dma_wait3A_66 : memref<80xi32, #tpu.memory_space<hbm>>) dst(%arg17 : memref<80xi32, #tpu.memory_space<vmem>>)
    %dma_wait3A_67 = arith.constant 0 : i32
    %dma_wait3A_68 = tpu.memref_slice %arg3[%dma_wait3A_67] : memref<640000xi32, #tpu.memory_space<hbm>> -> memref<80xi32, #tpu.memory_space<hbm>>
    %dma_wait3A_69 = arith.constant 0 : i32
    %dma_wait3A_70 = tpu.memref_slice %arg3[%dma_wait3A_69] : memref<640000xi32, #tpu.memory_space<hbm>> -> memref<80xi32, #tpu.memory_space<hbm>>
    tpu.wait_dma2 semaphore(%arg26 : memref<!tpu.dma_semaphore, #tpu.memory_space<semaphore_mem>>) src(%dma_wait3A_70 : memref<80xi32, #tpu.memory_space<hbm>>) dst(%arg10 : memref<80xi32, #tpu.memory_space<vmem>>)
    %dma_wait3A_71 = arith.constant 0 : i32
    %dma_wait3A_72 = tpu.memref_slice %arg3[%dma_wait3A_71] : memref<640000xi32, #tpu.memory_space<hbm>> -> memref<80xi32, #tpu.memory_space<hbm>>
    %dma_wait3A_73 = arith.constant 0 : i32
    %dma_wait3A_74 = tpu.memref_slice %arg3[%dma_wait3A_73] : memref<640000xi32, #tpu.memory_space<hbm>> -> memref<80xi32, #tpu.memory_space<hbm>>
    tpu.wait_dma2 semaphore(%arg26 : memref<!tpu.dma_semaphore, #tpu.memory_space<semaphore_mem>>) src(%dma_wait3A_74 : memref<80xi32, #tpu.memory_space<hbm>>) dst(%arg18 : memref<80xi32, #tpu.memory_space<vmem>>)
    %dma_start3A_75 = arith.constant 0 : i32
    %dma_start3A_76 = arith.constant 0 : i32
    %dma_start3A_77 = tpu.memref_slice %arg2[%dma_start3A_75, %dma_start3A_76] : memref<10000x128xf32, #tpu.memory_space<hbm>> -> memref<10000x128xf32, #tpu.memory_space<hbm>>
    tpu.enqueue_indirect_dma source(%dma_start3A_77 : memref<10000x128xf32, #tpu.memory_space<hbm>>) target(%arg33 : memref<80x128xf32, #tpu.memory_space<vmem>>) offsets(%arg9 : memref<80xi32, #tpu.memory_space<vmem>>) semaphore(%arg37 : memref<!tpu.dma_semaphore, #tpu.memory_space<semaphore_mem>>)
    %dma_start3A_78 = arith.constant 0 : i32
    %dma_start3A_79 = arith.constant 0 : i32
    %dma_start3A_80 = tpu.memref_slice %arg2[%dma_start3A_78, %dma_start3A_79] : memref<10000x128xf32, #tpu.memory_space<hbm>> -> memref<10000x128xf32, #tpu.memory_space<hbm>>
    tpu.enqueue_indirect_dma source(%dma_start3A_80 : memref<10000x128xf32, #tpu.memory_space<hbm>>) target(%arg34 : memref<80x128xf32, #tpu.memory_space<vmem>>) offsets(%arg10 : memref<80xi32, #tpu.memory_space<vmem>>) semaphore(%arg38 : memref<!tpu.dma_semaphore, #tpu.memory_space<semaphore_mem>>)
    %dma_wait3A_81 = arith.constant 0 : i32
    %dma_wait3A_82 = arith.constant 0 : i32
    %dma_wait3A_83 = tpu.memref_slice %arg2[%dma_wait3A_81, %dma_wait3A_82] : memref<10000x128xf32, #tpu.memory_space<hbm>> -> memref<10000x128xf32, #tpu.memory_space<hbm>>
    tpu.wait_indirect_dma semaphore(%arg35 : memref<!tpu.dma_semaphore, #tpu.memory_space<semaphore_mem>>) src(%dma_wait3A_83 : memref<10000x128xf32, #tpu.memory_space<hbm>>) dst(%arg31 : memref<80x128xf32, #tpu.memory_space<vmem>>)
    %dma_start3A_84 = arith.constant 0 : i32
    %dma_start3A_85 = arith.constant 0 : i32
    %dma_start3A_86 = tpu.memref_slice %arg6[%dma_start3A_84, %dma_start3A_85] : memref<10000x128xf32, #tpu.memory_space<vmem_shared>> -> memref<10000x128xf32, #tpu.memory_space<vmem_shared>>
    tpu.enqueue_indirect_dma source(%arg31 : memref<80x128xf32, #tpu.memory_space<vmem>>) target(%dma_start3A_86 : memref<10000x128xf32, #tpu.memory_space<vmem_shared>>) offsets(%arg15 : memref<80xi32, #tpu.memory_space<vmem>>) semaphore(%arg35 : memref<!tpu.dma_semaphore, #tpu.memory_space<semaphore_mem>>) {add = true}
    %dma_wait3A_87 = arith.constant 0 : i32
    %dma_wait3A_88 = arith.constant 0 : i32
    %dma_wait3A_89 = tpu.memref_slice %arg2[%dma_wait3A_87, %dma_wait3A_88] : memref<10000x128xf32, #tpu.memory_space<hbm>> -> memref<10000x128xf32, #tpu.memory_space<hbm>>
    tpu.wait_indirect_dma semaphore(%arg36 : memref<!tpu.dma_semaphore, #tpu.memory_space<semaphore_mem>>) src(%dma_wait3A_89 : memref<10000x128xf32, #tpu.memory_space<hbm>>) dst(%arg32 : memref<80x128xf32, #tpu.memory_space<vmem>>)
    %dma_start3A_90 = arith.constant 0 : i32
    %dma_start3A_91 = arith.constant 0 : i32
    %dma_start3A_92 = tpu.memref_slice %arg6[%dma_start3A_90, %dma_start3A_91] : memref<10000x128xf32, #tpu.memory_space<vmem_shared>> -> memref<10000x128xf32, #tpu.memory_space<vmem_shared>>
    tpu.enqueue_indirect_dma source(%arg32 : memref<80x128xf32, #tpu.memory_space<vmem>>) target(%dma_start3A_92 : memref<10000x128xf32, #tpu.memory_space<vmem_shared>>) offsets(%arg16 : memref<80xi32, #tpu.memory_space<vmem>>) semaphore(%arg36 : memref<!tpu.dma_semaphore, #tpu.memory_space<semaphore_mem>>) {add = true}
    %add3A_93 = arith.constant 320 : i32
    %add3A_94 = arith.addi %add3A, %add3A_93 : i32
    %dma_start3A_95 = tpu.memref_slice %arg3[%add3A_94] : memref<640000xi32, #tpu.memory_space<hbm>> -> memref<80xi32, #tpu.memory_space<hbm>>
    %dma_start3A_96 = tpu.memref_slice %arg3[%add3A_94] : memref<640000xi32, #tpu.memory_space<hbm>> -> memref<80xi32, #tpu.memory_space<hbm>>
    tpu.enqueue_dma source(%dma_start3A_96 : memref<80xi32, #tpu.memory_space<hbm>>) target(%arg11 : memref<80xi32, #tpu.memory_space<vmem>>) target_semaphore(%arg27 : memref<!tpu.dma_semaphore, #tpu.memory_space<semaphore_mem>>)
    %add3A_97 = arith.constant 320000 : i32
    %add3A_98 = arith.addi %add3A_97, %add3A_94 : i32
    %dma_start3A_99 = tpu.memref_slice %arg3[%add3A_98] : memref<640000xi32, #tpu.memory_space<hbm>> -> memref<80xi32, #tpu.memory_space<hbm>>
    %dma_start3A_100 = tpu.memref_slice %arg3[%add3A_98] : memref<640000xi32, #tpu.memory_space<hbm>> -> memref<80xi32, #tpu.memory_space<hbm>>
    tpu.enqueue_dma source(%dma_start3A_100 : memref<80xi32, #tpu.memory_space<hbm>>) target(%arg19 : memref<80xi32, #tpu.memory_space<vmem>>) target_semaphore(%arg27 : memref<!tpu.dma_semaphore, #tpu.memory_space<semaphore_mem>>)
    %add3A_101 = arith.constant 400 : i32
    %add3A_102 = arith.addi %add3A, %add3A_101 : i32
    %dma_start3A_103 = tpu.memref_slice %arg3[%add3A_102] : memref<640000xi32, #tpu.memory_space<hbm>> -> memref<80xi32, #tpu.memory_space<hbm>>
    %dma_start3A_104 = tpu.memref_slice %arg3[%add3A_102] : memref<640000xi32, #tpu.memory_space<hbm>> -> memref<80xi32, #tpu.memory_space<hbm>>
    tpu.enqueue_dma source(%dma_start3A_104 : memref<80xi32, #tpu.memory_space<hbm>>) target(%arg12 : memref<80xi32, #tpu.memory_space<vmem>>) target_semaphore(%arg28 : memref<!tpu.dma_semaphore, #tpu.memory_space<semaphore_mem>>)
    %add3A_105 = arith.constant 320000 : i32
    %add3A_106 = arith.addi %add3A_105, %add3A_102 : i32
    %dma_start3A_107 = tpu.memref_slice %arg3[%add3A_106] : memref<640000xi32, #tpu.memory_space<hbm>> -> memref<80xi32, #tpu.memory_space<hbm>>
    %dma_start3A_108 = tpu.memref_slice %arg3[%add3A_106] : memref<640000xi32, #tpu.memory_space<hbm>> -> memref<80xi32, #tpu.memory_space<hbm>>
    tpu.enqueue_dma source(%dma_start3A_108 : memref<80xi32, #tpu.memory_space<hbm>>) target(%arg20 : memref<80xi32, #tpu.memory_space<vmem>>) target_semaphore(%arg28 : memref<!tpu.dma_semaphore, #tpu.memory_space<semaphore_mem>>)
    %dma_wait3A_109 = arith.constant 0 : i32
    %dma_wait3A_110 = arith.constant 0 : i32
    %dma_wait3A_111 = tpu.memref_slice %arg6[%dma_wait3A_109, %dma_wait3A_110] : memref<10000x128xf32, #tpu.memory_space<vmem_shared>> -> memref<10000x128xf32, #tpu.memory_space<vmem_shared>>
    tpu.wait_indirect_dma semaphore(%arg35 : memref<!tpu.dma_semaphore, #tpu.memory_space<semaphore_mem>>) src(%arg31 : memref<80x128xf32, #tpu.memory_space<vmem>>) dst(%dma_wait3A_111 : memref<10000x128xf32, #tpu.memory_space<vmem_shared>>)
    %dma_wait3A_112 = arith.constant 0 : i32
    %dma_wait3A_113 = arith.constant 0 : i32
    %dma_wait3A_114 = tpu.memref_slice %arg6[%dma_wait3A_112, %dma_wait3A_113] : memref<10000x128xf32, #tpu.memory_space<vmem_shared>> -> memref<10000x128xf32, #tpu.memory_space<vmem_shared>>
    tpu.wait_indirect_dma semaphore(%arg36 : memref<!tpu.dma_semaphore, #tpu.memory_space<semaphore_mem>>) src(%arg32 : memref<80x128xf32, #tpu.memory_space<vmem>>) dst(%dma_wait3A_114 : memref<10000x128xf32, #tpu.memory_space<vmem_shared>>)
    %dma_wait3A_115 = arith.constant 0 : i32
    %dma_wait3A_116 = tpu.memref_slice %arg3[%dma_wait3A_115] : memref<640000xi32, #tpu.memory_space<hbm>> -> memref<80xi32, #tpu.memory_space<hbm>>
    %dma_wait3A_117 = arith.constant 0 : i32
    %dma_wait3A_118 = tpu.memref_slice %arg3[%dma_wait3A_117] : memref<640000xi32, #tpu.memory_space<hbm>> -> memref<80xi32, #tpu.memory_space<hbm>>
    tpu.wait_dma2 semaphore(%arg27 : memref<!tpu.dma_semaphore, #tpu.memory_space<semaphore_mem>>) src(%dma_wait3A_118 : memref<80xi32, #tpu.memory_space<hbm>>) dst(%arg11 : memref<80xi32, #tpu.memory_space<vmem>>)
    %dma_wait3A_119 = arith.constant 0 : i32
    %dma_wait3A_120 = tpu.memref_slice %arg3[%dma_wait3A_119] : memref<640000xi32, #tpu.memory_space<hbm>> -> memref<80xi32, #tpu.memory_space<hbm>>
    %dma_wait3A_121 = arith.constant 0 : i32
    %dma_wait3A_122 = tpu.memref_slice %arg3[%dma_wait3A_121] : memref<640000xi32, #tpu.memory_space<hbm>> -> memref<80xi32, #tpu.memory_space<hbm>>
    tpu.wait_dma2 semaphore(%arg27 : memref<!tpu.dma_semaphore, #tpu.memory_space<semaphore_mem>>) src(%dma_wait3A_122 : memref<80xi32, #tpu.memory_space<hbm>>) dst(%arg19 : memref<80xi32, #tpu.memory_space<vmem>>)
    %dma_wait3A_123 = arith.constant 0 : i32
    %dma_wait3A_124 = tpu.memref_slice %arg3[%dma_wait3A_123] : memref<640000xi32, #tpu.memory_space<hbm>> -> memref<80xi32, #tpu.memory_space<hbm>>
    %dma_wait3A_125 = arith.constant 0 : i32
    %dma_wait3A_126 = tpu.memref_slice %arg3[%dma_wait3A_125] : memref<640000xi32, #tpu.memory_space<hbm>> -> memref<80xi32, #tpu.memory_space<hbm>>
    tpu.wait_dma2 semaphore(%arg28 : memref<!tpu.dma_semaphore, #tpu.memory_space<semaphore_mem>>) src(%dma_wait3A_126 : memref<80xi32, #tpu.memory_space<hbm>>) dst(%arg12 : memref<80xi32, #tpu.memory_space<vmem>>)
    %dma_wait3A_127 = arith.constant 0 : i32
    %dma_wait3A_128 = tpu.memref_slice %arg3[%dma_wait3A_127] : memref<640000xi32, #tpu.memory_space<hbm>> -> memref<80xi32, #tpu.memory_space<hbm>>
    %dma_wait3A_129 = arith.constant 0 : i32
    %dma_wait3A_130 = tpu.memref_slice %arg3[%dma_wait3A_129] : memref<640000xi32, #tpu.memory_space<hbm>> -> memref<80xi32, #tpu.memory_space<hbm>>
    tpu.wait_dma2 semaphore(%arg28 : memref<!tpu.dma_semaphore, #tpu.memory_space<semaphore_mem>>) src(%dma_wait3A_130 : memref<80xi32, #tpu.memory_space<hbm>>) dst(%arg20 : memref<80xi32, #tpu.memory_space<vmem>>)
    %dma_start3A_131 = arith.constant 0 : i32
    %dma_start3A_132 = arith.constant 0 : i32
    %dma_start3A_133 = tpu.memref_slice %arg2[%dma_start3A_131, %dma_start3A_132] : memref<10000x128xf32, #tpu.memory_space<hbm>> -> memref<10000x128xf32, #tpu.memory_space<hbm>>
    tpu.enqueue_indirect_dma source(%dma_start3A_133 : memref<10000x128xf32, #tpu.memory_space<hbm>>) target(%arg31 : memref<80x128xf32, #tpu.memory_space<vmem>>) offsets(%arg11 : memref<80xi32, #tpu.memory_space<vmem>>) semaphore(%arg35 : memref<!tpu.dma_semaphore, #tpu.memory_space<semaphore_mem>>)
    %dma_start3A_134 = arith.constant 0 : i32
    %dma_start3A_135 = arith.constant 0 : i32
    %dma_start3A_136 = tpu.memref_slice %arg2[%dma_start3A_134, %dma_start3A_135] : memref<10000x128xf32, #tpu.memory_space<hbm>> -> memref<10000x128xf32, #tpu.memory_space<hbm>>
    tpu.enqueue_indirect_dma source(%dma_start3A_136 : memref<10000x128xf32, #tpu.memory_space<hbm>>) target(%arg32 : memref<80x128xf32, #tpu.memory_space<vmem>>) offsets(%arg12 : memref<80xi32, #tpu.memory_space<vmem>>) semaphore(%arg36 : memref<!tpu.dma_semaphore, #tpu.memory_space<semaphore_mem>>)
    %dma_wait3A_137 = arith.constant 0 : i32
    %dma_wait3A_138 = arith.constant 0 : i32
    %dma_wait3A_139 = tpu.memref_slice %arg2[%dma_wait3A_137, %dma_wait3A_138] : memref<10000x128xf32, #tpu.memory_space<hbm>> -> memref<10000x128xf32, #tpu.memory_space<hbm>>
    tpu.wait_indirect_dma semaphore(%arg37 : memref<!tpu.dma_semaphore, #tpu.memory_space<semaphore_mem>>) src(%dma_wait3A_139 : memref<10000x128xf32, #tpu.memory_space<hbm>>) dst(%arg33 : memref<80x128xf32, #tpu.memory_space<vmem>>)
    %dma_start3A_140 = arith.constant 0 : i32
    %dma_start3A_141 = arith.constant 0 : i32
    %dma_start3A_142 = tpu.memref_slice %arg6[%dma_start3A_140, %dma_start3A_141] : memref<10000x128xf32, #tpu.memory_space<vmem_shared>> -> memref<10000x128xf32, #tpu.memory_space<vmem_shared>>
    tpu.enqueue_indirect_dma source(%arg33 : memref<80x128xf32, #tpu.memory_space<vmem>>) target(%dma_start3A_142 : memref<10000x128xf32, #tpu.memory_space<vmem_shared>>) offsets(%arg17 : memref<80xi32, #tpu.memory_space<vmem>>) semaphore(%arg37 : memref<!tpu.dma_semaphore, #tpu.memory_space<semaphore_mem>>) {add = true}
    %dma_wait3A_143 = arith.constant 0 : i32
    %dma_wait3A_144 = arith.constant 0 : i32
    %dma_wait3A_145 = tpu.memref_slice %arg2[%dma_wait3A_143, %dma_wait3A_144] : memref<10000x128xf32, #tpu.memory_space<hbm>> -> memref<10000x128xf32, #tpu.memory_space<hbm>>
    tpu.wait_indirect_dma semaphore(%arg38 : memref<!tpu.dma_semaphore, #tpu.memory_space<semaphore_mem>>) src(%dma_wait3A_145 : memref<10000x128xf32, #tpu.memory_space<hbm>>) dst(%arg34 : memref<80x128xf32, #tpu.memory_space<vmem>>)
    %dma_start3A_146 = arith.constant 0 : i32
    %dma_start3A_147 = arith.constant 0 : i32
    %dma_start3A_148 = tpu.memref_slice %arg6[%dma_start3A_146, %dma_start3A_147] : memref<10000x128xf32, #tpu.memory_space<vmem_shared>> -> memref<10000x128xf32, #tpu.memory_space<vmem_shared>>
    tpu.enqueue_indirect_dma source(%arg34 : memref<80x128xf32, #tpu.memory_space<vmem>>) target(%dma_start3A_148 : memref<10000x128xf32, #tpu.memory_space<vmem_shared>>) offsets(%arg18 : memref<80xi32, #tpu.memory_space<vmem>>) semaphore(%arg38 : memref<!tpu.dma_semaphore, #tpu.memory_space<semaphore_mem>>) {add = true}
    %add3A_149 = arith.constant 480 : i32
    %add3A_150 = arith.addi %add3A, %add3A_149 : i32
    %dma_start3A_151 = tpu.memref_slice %arg3[%add3A_150] : memref<640000xi32, #tpu.memory_space<hbm>> -> memref<80xi32, #tpu.memory_space<hbm>>
    %dma_start3A_152 = tpu.memref_slice %arg3[%add3A_150] : memref<640000xi32, #tpu.memory_space<hbm>> -> memref<80xi32, #tpu.memory_space<hbm>>
    tpu.enqueue_dma source(%dma_start3A_152 : memref<80xi32, #tpu.memory_space<hbm>>) target(%arg13 : memref<80xi32, #tpu.memory_space<vmem>>) target_semaphore(%arg29 : memref<!tpu.dma_semaphore, #tpu.memory_space<semaphore_mem>>)
    %add3A_153 = arith.constant 320000 : i32
    %add3A_154 = arith.addi %add3A_153, %add3A_150 : i32
    %dma_start3A_155 = tpu.memref_slice %arg3[%add3A_154] : memref<640000xi32, #tpu.memory_space<hbm>> -> memref<80xi32, #tpu.memory_space<hbm>>
    %dma_start3A_156 = tpu.memref_slice %arg3[%add3A_154] : memref<640000xi32, #tpu.memory_space<hbm>> -> memref<80xi32, #tpu.memory_space<hbm>>
    tpu.enqueue_dma source(%dma_start3A_156 : memref<80xi32, #tpu.memory_space<hbm>>) target(%arg21 : memref<80xi32, #tpu.memory_space<vmem>>) target_semaphore(%arg29 : memref<!tpu.dma_semaphore, #tpu.memory_space<semaphore_mem>>)
    %add3A_157 = arith.constant 560 : i32
    %add3A_158 = arith.addi %add3A, %add3A_157 : i32
    %dma_start3A_159 = tpu.memref_slice %arg3[%add3A_158] : memref<640000xi32, #tpu.memory_space<hbm>> -> memref<80xi32, #tpu.memory_space<hbm>>
    %dma_start3A_160 = tpu.memref_slice %arg3[%add3A_158] : memref<640000xi32, #tpu.memory_space<hbm>> -> memref<80xi32, #tpu.memory_space<hbm>>
    tpu.enqueue_dma source(%dma_start3A_160 : memref<80xi32, #tpu.memory_space<hbm>>) target(%arg14 : memref<80xi32, #tpu.memory_space<vmem>>) target_semaphore(%arg30 : memref<!tpu.dma_semaphore, #tpu.memory_space<semaphore_mem>>)
    %add3A_161 = arith.constant 320000 : i32
    %add3A_162 = arith.addi %add3A_161, %add3A_158 : i32
    %dma_start3A_163 = tpu.memref_slice %arg3[%add3A_162] : memref<640000xi32, #tpu.memory_space<hbm>> -> memref<80xi32, #tpu.memory_space<hbm>>
    %dma_start3A_164 = tpu.memref_slice %arg3[%add3A_162] : memref<640000xi32, #tpu.memory_space<hbm>> -> memref<80xi32, #tpu.memory_space<hbm>>
    tpu.enqueue_dma source(%dma_start3A_164 : memref<80xi32, #tpu.memory_space<hbm>>) target(%arg22 : memref<80xi32, #tpu.memory_space<vmem>>) target_semaphore(%arg30 : memref<!tpu.dma_semaphore, #tpu.memory_space<semaphore_mem>>)
    %scan3A = arith.constant 0 : i32
    %scan3A_165 = arith.constant 0 : i32
    %scan3A_166 = arith.constant 15 : i32
    %scan3A_167 = arith.addi %scan3A_165, %scan3A_166 : i32
    %scan3A_168 = arith.constant 1 : i32
    scf.for %scan3A_198 = %scan3A_165 to %scan3A_167 step %scan3A_168  : i32 {
      %mul3A_199 = arith.constant 4 : i32
      %mul3A_200 = arith.muli %scan3A_198, %mul3A_199 : i32
      %add3A_201 = arith.constant 2 : i32
      %add3A_202 = arith.addi %add3A_201, %mul3A_200 : i32
      %add3A_203 = arith.constant 1 : i32
      %add3A_204 = arith.addi %add3A_202, %add3A_203 : i32
      %lt3A = arith.constant 62 : i32
      %lt3A_205 = arith.cmpi slt, %add3A_204, %lt3A : i32
      %convert_element_type3A_206 = arith.extui %lt3A_205 : i1 to i32
      %cond3A_207 = arith.constant 0 : i32
      %cond3A_208 = arith.cmpi ne, %convert_element_type3A_206, %cond3A_207 : i32
      scf.if %cond3A_208 {
        %dma_wait3A_312 = arith.constant 0 : i32
        %dma_wait3A_313 = arith.constant 0 : i32
        %dma_wait3A_314 = tpu.memref_slice %arg6[%dma_wait3A_312, %dma_wait3A_313] : memref<10000x128xf32, #tpu.memory_space<vmem_shared>> -> memref<10000x128xf32, #tpu.memory_space<vmem_shared>>
        tpu.wait_indirect_dma semaphore(%arg37 : memref<!tpu.dma_semaphore, #tpu.memory_space<semaphore_mem>>) src(%arg33 : memref<80x128xf32, #tpu.memory_space<vmem>>) dst(%dma_wait3A_314 : memref<10000x128xf32, #tpu.memory_space<vmem_shared>>)
        %dma_wait3A_315 = arith.constant 0 : i32
        %dma_wait3A_316 = arith.constant 0 : i32
        %dma_wait3A_317 = tpu.memref_slice %arg6[%dma_wait3A_315, %dma_wait3A_316] : memref<10000x128xf32, #tpu.memory_space<vmem_shared>> -> memref<10000x128xf32, #tpu.memory_space<vmem_shared>>
        tpu.wait_indirect_dma semaphore(%arg38 : memref<!tpu.dma_semaphore, #tpu.memory_space<semaphore_mem>>) src(%arg34 : memref<80x128xf32, #tpu.memory_space<vmem>>) dst(%dma_wait3A_317 : memref<10000x128xf32, #tpu.memory_space<vmem_shared>>)
        %dma_wait3A_318 = arith.constant 0 : i32
        %dma_wait3A_319 = tpu.memref_slice %arg3[%dma_wait3A_318] : memref<640000xi32, #tpu.memory_space<hbm>> -> memref<80xi32, #tpu.memory_space<hbm>>
        %dma_wait3A_320 = arith.constant 0 : i32
        %dma_wait3A_321 = tpu.memref_slice %arg3[%dma_wait3A_320] : memref<640000xi32, #tpu.memory_space<hbm>> -> memref<80xi32, #tpu.memory_space<hbm>>
        tpu.wait_dma2 semaphore(%arg29 : memref<!tpu.dma_semaphore, #tpu.memory_space<semaphore_mem>>) src(%dma_wait3A_321 : memref<80xi32, #tpu.memory_space<hbm>>) dst(%arg13 : memref<80xi32, #tpu.memory_space<vmem>>)
        %dma_wait3A_322 = arith.constant 0 : i32
        %dma_wait3A_323 = tpu.memref_slice %arg3[%dma_wait3A_322] : memref<640000xi32, #tpu.memory_space<hbm>> -> memref<80xi32, #tpu.memory_space<hbm>>
        %dma_wait3A_324 = arith.constant 0 : i32
        %dma_wait3A_325 = tpu.memref_slice %arg3[%dma_wait3A_324] : memref<640000xi32, #tpu.memory_space<hbm>> -> memref<80xi32, #tpu.memory_space<hbm>>
        tpu.wait_dma2 semaphore(%arg29 : memref<!tpu.dma_semaphore, #tpu.memory_space<semaphore_mem>>) src(%dma_wait3A_325 : memref<80xi32, #tpu.memory_space<hbm>>) dst(%arg21 : memref<80xi32, #tpu.memory_space<vmem>>)
        %dma_wait3A_326 = arith.constant 0 : i32
        %dma_wait3A_327 = tpu.memref_slice %arg3[%dma_wait3A_326] : memref<640000xi32, #tpu.memory_space<hbm>> -> memref<80xi32, #tpu.memory_space<hbm>>
        %dma_wait3A_328 = arith.constant 0 : i32
        %dma_wait3A_329 = tpu.memref_slice %arg3[%dma_wait3A_328] : memref<640000xi32, #tpu.memory_space<hbm>> -> memref<80xi32, #tpu.memory_space<hbm>>
        tpu.wait_dma2 semaphore(%arg30 : memref<!tpu.dma_semaphore, #tpu.memory_space<semaphore_mem>>) src(%dma_wait3A_329 : memref<80xi32, #tpu.memory_space<hbm>>) dst(%arg14 : memref<80xi32, #tpu.memory_space<vmem>>)
        %dma_wait3A_330 = arith.constant 0 : i32
        %dma_wait3A_331 = tpu.memref_slice %arg3[%dma_wait3A_330] : memref<640000xi32, #tpu.memory_space<hbm>> -> memref<80xi32, #tpu.memory_space<hbm>>
        %dma_wait3A_332 = arith.constant 0 : i32
        %dma_wait3A_333 = tpu.memref_slice %arg3[%dma_wait3A_332] : memref<640000xi32, #tpu.memory_space<hbm>> -> memref<80xi32, #tpu.memory_space<hbm>>
        tpu.wait_dma2 semaphore(%arg30 : memref<!tpu.dma_semaphore, #tpu.memory_space<semaphore_mem>>) src(%dma_wait3A_333 : memref<80xi32, #tpu.memory_space<hbm>>) dst(%arg22 : memref<80xi32, #tpu.memory_space<vmem>>)
        %dma_start3A_334 = arith.constant 0 : i32
        %dma_start3A_335 = arith.constant 0 : i32
        %dma_start3A_336 = tpu.memref_slice %arg2[%dma_start3A_334, %dma_start3A_335] : memref<10000x128xf32, #tpu.memory_space<hbm>> -> memref<10000x128xf32, #tpu.memory_space<hbm>>
        tpu.enqueue_indirect_dma source(%dma_start3A_336 : memref<10000x128xf32, #tpu.memory_space<hbm>>) target(%arg33 : memref<80x128xf32, #tpu.memory_space<vmem>>) offsets(%arg13 : memref<80xi32, #tpu.memory_space<vmem>>) semaphore(%arg37 : memref<!tpu.dma_semaphore, #tpu.memory_space<semaphore_mem>>)
        %dma_start3A_337 = arith.constant 0 : i32
        %dma_start3A_338 = arith.constant 0 : i32
        %dma_start3A_339 = tpu.memref_slice %arg2[%dma_start3A_337, %dma_start3A_338] : memref<10000x128xf32, #tpu.memory_space<hbm>> -> memref<10000x128xf32, #tpu.memory_space<hbm>>
        tpu.enqueue_indirect_dma source(%dma_start3A_339 : memref<10000x128xf32, #tpu.memory_space<hbm>>) target(%arg34 : memref<80x128xf32, #tpu.memory_space<vmem>>) offsets(%arg14 : memref<80xi32, #tpu.memory_space<vmem>>) semaphore(%arg38 : memref<!tpu.dma_semaphore, #tpu.memory_space<semaphore_mem>>)
      } else {
      }
      %dma_wait3A_209 = arith.constant 0 : i32
      %dma_wait3A_210 = arith.constant 0 : i32
      %dma_wait3A_211 = tpu.memref_slice %arg2[%dma_wait3A_209, %dma_wait3A_210] : memref<10000x128xf32, #tpu.memory_space<hbm>> -> memref<10000x128xf32, #tpu.memory_space<hbm>>
      tpu.wait_indirect_dma semaphore(%arg35 : memref<!tpu.dma_semaphore, #tpu.memory_space<semaphore_mem>>) src(%dma_wait3A_211 : memref<10000x128xf32, #tpu.memory_space<hbm>>) dst(%arg31 : memref<80x128xf32, #tpu.memory_space<vmem>>)
      %dma_start3A_212 = arith.constant 0 : i32
      %dma_start3A_213 = arith.constant 0 : i32
      %dma_start3A_214 = tpu.memref_slice %arg6[%dma_start3A_212, %dma_start3A_213] : memref<10000x128xf32, #tpu.memory_space<vmem_shared>> -> memref<10000x128xf32, #tpu.memory_space<vmem_shared>>
      tpu.enqueue_indirect_dma source(%arg31 : memref<80x128xf32, #tpu.memory_space<vmem>>) target(%dma_start3A_214 : memref<10000x128xf32, #tpu.memory_space<vmem_shared>>) offsets(%arg19 : memref<80xi32, #tpu.memory_space<vmem>>) semaphore(%arg35 : memref<!tpu.dma_semaphore, #tpu.memory_space<semaphore_mem>>) {add = true}
      %dma_wait3A_215 = arith.constant 0 : i32
      %dma_wait3A_216 = arith.constant 0 : i32
      %dma_wait3A_217 = tpu.memref_slice %arg2[%dma_wait3A_215, %dma_wait3A_216] : memref<10000x128xf32, #tpu.memory_space<hbm>> -> memref<10000x128xf32, #tpu.memory_space<hbm>>
      tpu.wait_indirect_dma semaphore(%arg36 : memref<!tpu.dma_semaphore, #tpu.memory_space<semaphore_mem>>) src(%dma_wait3A_217 : memref<10000x128xf32, #tpu.memory_space<hbm>>) dst(%arg32 : memref<80x128xf32, #tpu.memory_space<vmem>>)
      %dma_start3A_218 = arith.constant 0 : i32
      %dma_start3A_219 = arith.constant 0 : i32
      %dma_start3A_220 = tpu.memref_slice %arg6[%dma_start3A_218, %dma_start3A_219] : memref<10000x128xf32, #tpu.memory_space<vmem_shared>> -> memref<10000x128xf32, #tpu.memory_space<vmem_shared>>
      tpu.enqueue_indirect_dma source(%arg32 : memref<80x128xf32, #tpu.memory_space<vmem>>) target(%dma_start3A_220 : memref<10000x128xf32, #tpu.memory_space<vmem_shared>>) offsets(%arg20 : memref<80xi32, #tpu.memory_space<vmem>>) semaphore(%arg36 : memref<!tpu.dma_semaphore, #tpu.memory_space<semaphore_mem>>) {add = true}
      %add3A_221 = arith.constant 2 : i32
      %add3A_222 = arith.addi %add3A_202, %add3A_221 : i32
      %lt3A_223 = arith.constant 62 : i32
      %lt3A_224 = arith.cmpi slt, %add3A_222, %lt3A_223 : i32
      %convert_element_type3A_225 = arith.extui %lt3A_224 : i1 to i32
      %cond3A_226 = arith.constant 0 : i32
      %cond3A_227 = arith.cmpi ne, %convert_element_type3A_225, %cond3A_226 : i32
      scf.if %cond3A_227 {
        %add3A_312 = arith.constant 2 : i32
        %add3A_313 = arith.addi %add3A_202, %add3A_312 : i32
        %mul3A_314 = arith.constant 2 : i32
        %mul3A_315 = arith.muli %add3A_313, %mul3A_314 : i32
        %add3A_316 = arith.constant 0 : i32
        %add3A_317 = arith.addi %mul3A_315, %add3A_316 : i32
        %mul3A_318 = arith.constant 80 : i32
        %mul3A_319 = arith.muli %add3A_317, %mul3A_318 : i32
        %add3A_320 = arith.addi %add3A, %mul3A_319 : i32
        %dma_start3A_321 = tpu.memref_slice %arg3[%add3A_320] : memref<640000xi32, #tpu.memory_space<hbm>> -> memref<80xi32, #tpu.memory_space<hbm>>
        %dma_start3A_322 = tpu.memref_slice %arg3[%add3A_320] : memref<640000xi32, #tpu.memory_space<hbm>> -> memref<80xi32, #tpu.memory_space<hbm>>
        tpu.enqueue_dma source(%dma_start3A_322 : memref<80xi32, #tpu.memory_space<hbm>>) target(%arg7 : memref<80xi32, #tpu.memory_space<vmem>>) target_semaphore(%arg23 : memref<!tpu.dma_semaphore, #tpu.memory_space<semaphore_mem>>)
        %add3A_323 = arith.constant 320000 : i32
        %add3A_324 = arith.addi %add3A_323, %add3A_320 : i32
        %dma_start3A_325 = tpu.memref_slice %arg3[%add3A_324] : memref<640000xi32, #tpu.memory_space<hbm>> -> memref<80xi32, #tpu.memory_space<hbm>>
        %dma_start3A_326 = tpu.memref_slice %arg3[%add3A_324] : memref<640000xi32, #tpu.memory_space<hbm>> -> memref<80xi32, #tpu.memory_space<hbm>>
        tpu.enqueue_dma source(%dma_start3A_326 : memref<80xi32, #tpu.memory_space<hbm>>) target(%arg15 : memref<80xi32, #tpu.memory_space<vmem>>) target_semaphore(%arg23 : memref<!tpu.dma_semaphore, #tpu.memory_space<semaphore_mem>>)
        %mul3A_327 = arith.constant 2 : i32
        %mul3A_328 = arith.muli %add3A_313, %mul3A_327 : i32
        %add3A_329 = arith.constant 1 : i32
        %add3A_330 = arith.addi %mul3A_328, %add3A_329 : i32
        %mul3A_331 = arith.constant 80 : i32
        %mul3A_332 = arith.muli %add3A_330, %mul3A_331 : i32
        %add3A_333 = arith.addi %add3A, %mul3A_332 : i32
        %dma_start3A_334 = tpu.memref_slice %arg3[%add3A_333] : memref<640000xi32, #tpu.memory_space<hbm>> -> memref<80xi32, #tpu.memory_space<hbm>>
        %dma_start3A_335 = tpu.memref_slice %arg3[%add3A_333] : memref<640000xi32, #tpu.memory_space<hbm>> -> memref<80xi32, #tpu.memory_space<hbm>>
        tpu.enqueue_dma source(%dma_start3A_335 : memref<80xi32, #tpu.memory_space<hbm>>) target(%arg8 : memref<80xi32, #tpu.memory_space<vmem>>) target_semaphore(%arg24 : memref<!tpu.dma_semaphore, #tpu.memory_space<semaphore_mem>>)
        %add3A_336 = arith.constant 320000 : i32
        %add3A_337 = arith.addi %add3A_336, %add3A_333 : i32
        %dma_start3A_338 = tpu.memref_slice %arg3[%add3A_337] : memref<640000xi32, #tpu.memory_space<hbm>> -> memref<80xi32, #tpu.memory_space<hbm>>
        %dma_start3A_339 = tpu.memref_slice %arg3[%add3A_337] : memref<640000xi32, #tpu.memory_space<hbm>> -> memref<80xi32, #tpu.memory_space<hbm>>
        tpu.enqueue_dma source(%dma_start3A_339 : memref<80xi32, #tpu.memory_space<hbm>>) target(%arg16 : memref<80xi32, #tpu.memory_space<vmem>>) target_semaphore(%arg24 : memref<!tpu.dma_semaphore, #tpu.memory_space<semaphore_mem>>)
      } else {
      }
      %add3A_228 = arith.constant 1 : i32
      %add3A_229 = arith.addi %add3A_202, %add3A_228 : i32
      %add3A_230 = arith.constant 1 : i32
      %add3A_231 = arith.addi %add3A_229, %add3A_230 : i32
      %lt3A_232 = arith.constant 62 : i32
      %lt3A_233 = arith.cmpi slt, %add3A_231, %lt3A_232 : i32
      %convert_element_type3A_234 = arith.extui %lt3A_233 : i1 to i32
      %cond3A_235 = arith.constant 0 : i32
      %cond3A_236 = arith.cmpi ne, %convert_element_type3A_234, %cond3A_235 : i32
      scf.if %cond3A_236 {
        %dma_wait3A_312 = arith.constant 0 : i32
        %dma_wait3A_313 = arith.constant 0 : i32
        %dma_wait3A_314 = tpu.memref_slice %arg6[%dma_wait3A_312, %dma_wait3A_313] : memref<10000x128xf32, #tpu.memory_space<vmem_shared>> -> memref<10000x128xf32, #tpu.memory_space<vmem_shared>>
        tpu.wait_indirect_dma semaphore(%arg35 : memref<!tpu.dma_semaphore, #tpu.memory_space<semaphore_mem>>) src(%arg31 : memref<80x128xf32, #tpu.memory_space<vmem>>) dst(%dma_wait3A_314 : memref<10000x128xf32, #tpu.memory_space<vmem_shared>>)
        %dma_wait3A_315 = arith.constant 0 : i32
        %dma_wait3A_316 = arith.constant 0 : i32
        %dma_wait3A_317 = tpu.memref_slice %arg6[%dma_wait3A_315, %dma_wait3A_316] : memref<10000x128xf32, #tpu.memory_space<vmem_shared>> -> memref<10000x128xf32, #tpu.memory_space<vmem_shared>>
        tpu.wait_indirect_dma semaphore(%arg36 : memref<!tpu.dma_semaphore, #tpu.memory_space<semaphore_mem>>) src(%arg32 : memref<80x128xf32, #tpu.memory_space<vmem>>) dst(%dma_wait3A_317 : memref<10000x128xf32, #tpu.memory_space<vmem_shared>>)
        %dma_wait3A_318 = arith.constant 0 : i32
        %dma_wait3A_319 = tpu.memref_slice %arg3[%dma_wait3A_318] : memref<640000xi32, #tpu.memory_space<hbm>> -> memref<80xi32, #tpu.memory_space<hbm>>
        %dma_wait3A_320 = arith.constant 0 : i32
        %dma_wait3A_321 = tpu.memref_slice %arg3[%dma_wait3A_320] : memref<640000xi32, #tpu.memory_space<hbm>> -> memref<80xi32, #tpu.memory_space<hbm>>
        tpu.wait_dma2 semaphore(%arg23 : memref<!tpu.dma_semaphore, #tpu.memory_space<semaphore_mem>>) src(%dma_wait3A_321 : memref<80xi32, #tpu.memory_space<hbm>>) dst(%arg7 : memref<80xi32, #tpu.memory_space<vmem>>)
        %dma_wait3A_322 = arith.constant 0 : i32
        %dma_wait3A_323 = tpu.memref_slice %arg3[%dma_wait3A_322] : memref<640000xi32, #tpu.memory_space<hbm>> -> memref<80xi32, #tpu.memory_space<hbm>>
        %dma_wait3A_324 = arith.constant 0 : i32
        %dma_wait3A_325 = tpu.memref_slice %arg3[%dma_wait3A_324] : memref<640000xi32, #tpu.memory_space<hbm>> -> memref<80xi32, #tpu.memory_space<hbm>>
        tpu.wait_dma2 semaphore(%arg23 : memref<!tpu.dma_semaphore, #tpu.memory_space<semaphore_mem>>) src(%dma_wait3A_325 : memref<80xi32, #tpu.memory_space<hbm>>) dst(%arg15 : memref<80xi32, #tpu.memory_space<vmem>>)
        %dma_wait3A_326 = arith.constant 0 : i32
        %dma_wait3A_327 = tpu.memref_slice %arg3[%dma_wait3A_326] : memref<640000xi32, #tpu.memory_space<hbm>> -> memref<80xi32, #tpu.memory_space<hbm>>
        %dma_wait3A_328 = arith.constant 0 : i32
        %dma_wait3A_329 = tpu.memref_slice %arg3[%dma_wait3A_328] : memref<640000xi32, #tpu.memory_space<hbm>> -> memref<80xi32, #tpu.memory_space<hbm>>
        tpu.wait_dma2 semaphore(%arg24 : memref<!tpu.dma_semaphore, #tpu.memory_space<semaphore_mem>>) src(%dma_wait3A_329 : memref<80xi32, #tpu.memory_space<hbm>>) dst(%arg8 : memref<80xi32, #tpu.memory_space<vmem>>)
        %dma_wait3A_330 = arith.constant 0 : i32
        %dma_wait3A_331 = tpu.memref_slice %arg3[%dma_wait3A_330] : memref<640000xi32, #tpu.memory_space<hbm>> -> memref<80xi32, #tpu.memory_space<hbm>>
        %dma_wait3A_332 = arith.constant 0 : i32
        %dma_wait3A_333 = tpu.memref_slice %arg3[%dma_wait3A_332] : memref<640000xi32, #tpu.memory_space<hbm>> -> memref<80xi32, #tpu.memory_space<hbm>>
        tpu.wait_dma2 semaphore(%arg24 : memref<!tpu.dma_semaphore, #tpu.memory_space<semaphore_mem>>) src(%dma_wait3A_333 : memref<80xi32, #tpu.memory_space<hbm>>) dst(%arg16 : memref<80xi32, #tpu.memory_space<vmem>>)
        %dma_start3A_334 = arith.constant 0 : i32
        %dma_start3A_335 = arith.constant 0 : i32
        %dma_start3A_336 = tpu.memref_slice %arg2[%dma_start3A_334, %dma_start3A_335] : memref<10000x128xf32, #tpu.memory_space<hbm>> -> memref<10000x128xf32, #tpu.memory_space<hbm>>
        tpu.enqueue_indirect_dma source(%dma_start3A_336 : memref<10000x128xf32, #tpu.memory_space<hbm>>) target(%arg31 : memref<80x128xf32, #tpu.memory_space<vmem>>) offsets(%arg7 : memref<80xi32, #tpu.memory_space<vmem>>) semaphore(%arg35 : memref<!tpu.dma_semaphore, #tpu.memory_space<semaphore_mem>>)
        %dma_start3A_337 = arith.constant 0 : i32
        %dma_start3A_338 = arith.constant 0 : i32
        %dma_start3A_339 = tpu.memref_slice %arg2[%dma_start3A_337, %dma_start3A_338] : memref<10000x128xf32, #tpu.memory_space<hbm>> -> memref<10000x128xf32, #tpu.memory_space<hbm>>
        tpu.enqueue_indirect_dma source(%dma_start3A_339 : memref<10000x128xf32, #tpu.memory_space<hbm>>) target(%arg32 : memref<80x128xf32, #tpu.memory_space<vmem>>) offsets(%arg8 : memref<80xi32, #tpu.memory_space<vmem>>) semaphore(%arg36 : memref<!tpu.dma_semaphore, #tpu.memory_space<semaphore_mem>>)
      } else {
      }
      %dma_wait3A_237 = arith.constant 0 : i32
      %dma_wait3A_238 = arith.constant 0 : i32
      %dma_wait3A_239 = tpu.memref_slice %arg2[%dma_wait3A_237, %dma_wait3A_238] : memref<10000x128xf32, #tpu.memory_space<hbm>> -> memref<10000x128xf32, #tpu.memory_space<hbm>>
      tpu.wait_indirect_dma semaphore(%arg37 : memref<!tpu.dma_semaphore, #tpu.memory_space<semaphore_mem>>) src(%dma_wait3A_239 : memref<10000x128xf32, #tpu.memory_space<hbm>>) dst(%arg33 : memref<80x128xf32, #tpu.memory_space<vmem>>)
      %dma_start3A_240 = arith.constant 0 : i32
      %dma_start3A_241 = arith.constant 0 : i32
      %dma_start3A_242 = tpu.memref_slice %arg6[%dma_start3A_240, %dma_start3A_241] : memref<10000x128xf32, #tpu.memory_space<vmem_shared>> -> memref<10000x128xf32, #tpu.memory_space<vmem_shared>>
      tpu.enqueue_indirect_dma source(%arg33 : memref<80x128xf32, #tpu.memory_space<vmem>>) target(%dma_start3A_242 : memref<10000x128xf32, #tpu.memory_space<vmem_shared>>) offsets(%arg21 : memref<80xi32, #tpu.memory_space<vmem>>) semaphore(%arg37 : memref<!tpu.dma_semaphore, #tpu.memory_space<semaphore_mem>>) {add = true}
      %dma_wait3A_243 = arith.constant 0 : i32
      %dma_wait3A_244 = arith.constant 0 : i32
      %dma_wait3A_245 = tpu.memref_slice %arg2[%dma_wait3A_243, %dma_wait3A_244] : memref<10000x128xf32, #tpu.memory_space<hbm>> -> memref<10000x128xf32, #tpu.memory_space<hbm>>
      tpu.wait_indirect_dma semaphore(%arg38 : memref<!tpu.dma_semaphore, #tpu.memory_space<semaphore_mem>>) src(%dma_wait3A_245 : memref<10000x128xf32, #tpu.memory_space<hbm>>) dst(%arg34 : memref<80x128xf32, #tpu.memory_space<vmem>>)
      %dma_start3A_246 = arith.constant 0 : i32
      %dma_start3A_247 = arith.constant 0 : i32
      %dma_start3A_248 = tpu.memref_slice %arg6[%dma_start3A_246, %dma_start3A_247] : memref<10000x128xf32, #tpu.memory_space<vmem_shared>> -> memref<10000x128xf32, #tpu.memory_space<vmem_shared>>
      tpu.enqueue_indirect_dma source(%arg34 : memref<80x128xf32, #tpu.memory_space<vmem>>) target(%dma_start3A_248 : memref<10000x128xf32, #tpu.memory_space<vmem_shared>>) offsets(%arg22 : memref<80xi32, #tpu.memory_space<vmem>>) semaphore(%arg38 : memref<!tpu.dma_semaphore, #tpu.memory_space<semaphore_mem>>) {add = true}
      %add3A_249 = arith.constant 2 : i32
      %add3A_250 = arith.addi %add3A_229, %add3A_249 : i32
      %lt3A_251 = arith.constant 62 : i32
      %lt3A_252 = arith.cmpi slt, %add3A_250, %lt3A_251 : i32
      %convert_element_type3A_253 = arith.extui %lt3A_252 : i1 to i32
      %cond3A_254 = arith.constant 0 : i32
      %cond3A_255 = arith.cmpi ne, %convert_element_type3A_253, %cond3A_254 : i32
      scf.if %cond3A_255 {
        %add3A_312 = arith.constant 2 : i32
        %add3A_313 = arith.addi %add3A_229, %add3A_312 : i32
        %mul3A_314 = arith.constant 2 : i32
        %mul3A_315 = arith.muli %add3A_313, %mul3A_314 : i32
        %add3A_316 = arith.constant 0 : i32
        %add3A_317 = arith.addi %mul3A_315, %add3A_316 : i32
        %mul3A_318 = arith.constant 80 : i32
        %mul3A_319 = arith.muli %add3A_317, %mul3A_318 : i32
        %add3A_320 = arith.addi %add3A, %mul3A_319 : i32
        %dma_start3A_321 = tpu.memref_slice %arg3[%add3A_320] : memref<640000xi32, #tpu.memory_space<hbm>> -> memref<80xi32, #tpu.memory_space<hbm>>
        %dma_start3A_322 = tpu.memref_slice %arg3[%add3A_320] : memref<640000xi32, #tpu.memory_space<hbm>> -> memref<80xi32, #tpu.memory_space<hbm>>
        tpu.enqueue_dma source(%dma_start3A_322 : memref<80xi32, #tpu.memory_space<hbm>>) target(%arg9 : memref<80xi32, #tpu.memory_space<vmem>>) target_semaphore(%arg25 : memref<!tpu.dma_semaphore, #tpu.memory_space<semaphore_mem>>)
        %add3A_323 = arith.constant 320000 : i32
        %add3A_324 = arith.addi %add3A_323, %add3A_320 : i32
        %dma_start3A_325 = tpu.memref_slice %arg3[%add3A_324] : memref<640000xi32, #tpu.memory_space<hbm>> -> memref<80xi32, #tpu.memory_space<hbm>>
        %dma_start3A_326 = tpu.memref_slice %arg3[%add3A_324] : memref<640000xi32, #tpu.memory_space<hbm>> -> memref<80xi32, #tpu.memory_space<hbm>>
        tpu.enqueue_dma source(%dma_start3A_326 : memref<80xi32, #tpu.memory_space<hbm>>) target(%arg17 : memref<80xi32, #tpu.memory_space<vmem>>) target_semaphore(%arg25 : memref<!tpu.dma_semaphore, #tpu.memory_space<semaphore_mem>>)
        %mul3A_327 = arith.constant 2 : i32
        %mul3A_328 = arith.muli %add3A_313, %mul3A_327 : i32
        %add3A_329 = arith.constant 1 : i32
        %add3A_330 = arith.addi %mul3A_328, %add3A_329 : i32
        %mul3A_331 = arith.constant 80 : i32
        %mul3A_332 = arith.muli %add3A_330, %mul3A_331 : i32
        %add3A_333 = arith.addi %add3A, %mul3A_332 : i32
        %dma_start3A_334 = tpu.memref_slice %arg3[%add3A_333] : memref<640000xi32, #tpu.memory_space<hbm>> -> memref<80xi32, #tpu.memory_space<hbm>>
        %dma_start3A_335 = tpu.memref_slice %arg3[%add3A_333] : memref<640000xi32, #tpu.memory_space<hbm>> -> memref<80xi32, #tpu.memory_space<hbm>>
        tpu.enqueue_dma source(%dma_start3A_335 : memref<80xi32, #tpu.memory_space<hbm>>) target(%arg10 : memref<80xi32, #tpu.memory_space<vmem>>) target_semaphore(%arg26 : memref<!tpu.dma_semaphore, #tpu.memory_space<semaphore_mem>>)
        %add3A_336 = arith.constant 320000 : i32
        %add3A_337 = arith.addi %add3A_336, %add3A_333 : i32
        %dma_start3A_338 = tpu.memref_slice %arg3[%add3A_337] : memref<640000xi32, #tpu.memory_space<hbm>> -> memref<80xi32, #tpu.memory_space<hbm>>
        %dma_start3A_339 = tpu.memref_slice %arg3[%add3A_337] : memref<640000xi32, #tpu.memory_space<hbm>> -> memref<80xi32, #tpu.memory_space<hbm>>
        tpu.enqueue_dma source(%dma_start3A_339 : memref<80xi32, #tpu.memory_space<hbm>>) target(%arg18 : memref<80xi32, #tpu.memory_space<vmem>>) target_semaphore(%arg26 : memref<!tpu.dma_semaphore, #tpu.memory_space<semaphore_mem>>)
      } else {
      }
      %add3A_256 = arith.constant 2 : i32
      %add3A_257 = arith.addi %add3A_202, %add3A_256 : i32
      %add3A_258 = arith.constant 1 : i32
      %add3A_259 = arith.addi %add3A_257, %add3A_258 : i32
      %lt3A_260 = arith.constant 62 : i32
      %lt3A_261 = arith.cmpi slt, %add3A_259, %lt3A_260 : i32
      %convert_element_type3A_262 = arith.extui %lt3A_261 : i1 to i32
      %cond3A_263 = arith.constant 0 : i32
      %cond3A_264 = arith.cmpi ne, %convert_element_type3A_262, %cond3A_263 : i32
      scf.if %cond3A_264 {
        %dma_wait3A_312 = arith.constant 0 : i32
        %dma_wait3A_313 = arith.constant 0 : i32
        %dma_wait3A_314 = tpu.memref_slice %arg6[%dma_wait3A_312, %dma_wait3A_313] : memref<10000x128xf32, #tpu.memory_space<vmem_shared>> -> memref<10000x128xf32, #tpu.memory_space<vmem_shared>>
        tpu.wait_indirect_dma semaphore(%arg37 : memref<!tpu.dma_semaphore, #tpu.memory_space<semaphore_mem>>) src(%arg33 : memref<80x128xf32, #tpu.memory_space<vmem>>) dst(%dma_wait3A_314 : memref<10000x128xf32, #tpu.memory_space<vmem_shared>>)
        %dma_wait3A_315 = arith.constant 0 : i32
        %dma_wait3A_316 = arith.constant 0 : i32
        %dma_wait3A_317 = tpu.memref_slice %arg6[%dma_wait3A_315, %dma_wait3A_316] : memref<10000x128xf32, #tpu.memory_space<vmem_shared>> -> memref<10000x128xf32, #tpu.memory_space<vmem_shared>>
        tpu.wait_indirect_dma semaphore(%arg38 : memref<!tpu.dma_semaphore, #tpu.memory_space<semaphore_mem>>) src(%arg34 : memref<80x128xf32, #tpu.memory_space<vmem>>) dst(%dma_wait3A_317 : memref<10000x128xf32, #tpu.memory_space<vmem_shared>>)
        %dma_wait3A_318 = arith.constant 0 : i32
        %dma_wait3A_319 = tpu.memref_slice %arg3[%dma_wait3A_318] : memref<640000xi32, #tpu.memory_space<hbm>> -> memref<80xi32, #tpu.memory_space<hbm>>
        %dma_wait3A_320 = arith.constant 0 : i32
        %dma_wait3A_321 = tpu.memref_slice %arg3[%dma_wait3A_320] : memref<640000xi32, #tpu.memory_space<hbm>> -> memref<80xi32, #tpu.memory_space<hbm>>
        tpu.wait_dma2 semaphore(%arg25 : memref<!tpu.dma_semaphore, #tpu.memory_space<semaphore_mem>>) src(%dma_wait3A_321 : memref<80xi32, #tpu.memory_space<hbm>>) dst(%arg9 : memref<80xi32, #tpu.memory_space<vmem>>)
        %dma_wait3A_322 = arith.constant 0 : i32
        %dma_wait3A_323 = tpu.memref_slice %arg3[%dma_wait3A_322] : memref<640000xi32, #tpu.memory_space<hbm>> -> memref<80xi32, #tpu.memory_space<hbm>>
        %dma_wait3A_324 = arith.constant 0 : i32
        %dma_wait3A_325 = tpu.memref_slice %arg3[%dma_wait3A_324] : memref<640000xi32, #tpu.memory_space<hbm>> -> memref<80xi32, #tpu.memory_space<hbm>>
        tpu.wait_dma2 semaphore(%arg25 : memref<!tpu.dma_semaphore, #tpu.memory_space<semaphore_mem>>) src(%dma_wait3A_325 : memref<80xi32, #tpu.memory_space<hbm>>) dst(%arg17 : memref<80xi32, #tpu.memory_space<vmem>>)
        %dma_wait3A_326 = arith.constant 0 : i32
        %dma_wait3A_327 = tpu.memref_slice %arg3[%dma_wait3A_326] : memref<640000xi32, #tpu.memory_space<hbm>> -> memref<80xi32, #tpu.memory_space<hbm>>
        %dma_wait3A_328 = arith.constant 0 : i32
        %dma_wait3A_329 = tpu.memref_slice %arg3[%dma_wait3A_328] : memref<640000xi32, #tpu.memory_space<hbm>> -> memref<80xi32, #tpu.memory_space<hbm>>
        tpu.wait_dma2 semaphore(%arg26 : memref<!tpu.dma_semaphore, #tpu.memory_space<semaphore_mem>>) src(%dma_wait3A_329 : memref<80xi32, #tpu.memory_space<hbm>>) dst(%arg10 : memref<80xi32, #tpu.memory_space<vmem>>)
        %dma_wait3A_330 = arith.constant 0 : i32
        %dma_wait3A_331 = tpu.memref_slice %arg3[%dma_wait3A_330] : memref<640000xi32, #tpu.memory_space<hbm>> -> memref<80xi32, #tpu.memory_space<hbm>>
        %dma_wait3A_332 = arith.constant 0 : i32
        %dma_wait3A_333 = tpu.memref_slice %arg3[%dma_wait3A_332] : memref<640000xi32, #tpu.memory_space<hbm>> -> memref<80xi32, #tpu.memory_space<hbm>>
        tpu.wait_dma2 semaphore(%arg26 : memref<!tpu.dma_semaphore, #tpu.memory_space<semaphore_mem>>) src(%dma_wait3A_333 : memref<80xi32, #tpu.memory_space<hbm>>) dst(%arg18 : memref<80xi32, #tpu.memory_space<vmem>>)
        %dma_start3A_334 = arith.constant 0 : i32
        %dma_start3A_335 = arith.constant 0 : i32
        %dma_start3A_336 = tpu.memref_slice %arg2[%dma_start3A_334, %dma_start3A_335] : memref<10000x128xf32, #tpu.memory_space<hbm>> -> memref<10000x128xf32, #tpu.memory_space<hbm>>
        tpu.enqueue_indirect_dma source(%dma_start3A_336 : memref<10000x128xf32, #tpu.memory_space<hbm>>) target(%arg33 : memref<80x128xf32, #tpu.memory_space<vmem>>) offsets(%arg9 : memref<80xi32, #tpu.memory_space<vmem>>) semaphore(%arg37 : memref<!tpu.dma_semaphore, #tpu.memory_space<semaphore_mem>>)
        %dma_start3A_337 = arith.constant 0 : i32
        %dma_start3A_338 = arith.constant 0 : i32
        %dma_start3A_339 = tpu.memref_slice %arg2[%dma_start3A_337, %dma_start3A_338] : memref<10000x128xf32, #tpu.memory_space<hbm>> -> memref<10000x128xf32, #tpu.memory_space<hbm>>
        tpu.enqueue_indirect_dma source(%dma_start3A_339 : memref<10000x128xf32, #tpu.memory_space<hbm>>) target(%arg34 : memref<80x128xf32, #tpu.memory_space<vmem>>) offsets(%arg10 : memref<80xi32, #tpu.memory_space<vmem>>) semaphore(%arg38 : memref<!tpu.dma_semaphore, #tpu.memory_space<semaphore_mem>>)
      } else {
      }
      %dma_wait3A_265 = arith.constant 0 : i32
      %dma_wait3A_266 = arith.constant 0 : i32
      %dma_wait3A_267 = tpu.memref_slice %arg2[%dma_wait3A_265, %dma_wait3A_266] : memref<10000x128xf32, #tpu.memory_space<hbm>> -> memref<10000x128xf32, #tpu.memory_space<hbm>>
      tpu.wait_indirect_dma semaphore(%arg35 : memref<!tpu.dma_semaphore, #tpu.memory_space<semaphore_mem>>) src(%dma_wait3A_267 : memref<10000x128xf32, #tpu.memory_space<hbm>>) dst(%arg31 : memref<80x128xf32, #tpu.memory_space<vmem>>)
      %dma_start3A_268 = arith.constant 0 : i32
      %dma_start3A_269 = arith.constant 0 : i32
      %dma_start3A_270 = tpu.memref_slice %arg6[%dma_start3A_268, %dma_start3A_269] : memref<10000x128xf32, #tpu.memory_space<vmem_shared>> -> memref<10000x128xf32, #tpu.memory_space<vmem_shared>>
      tpu.enqueue_indirect_dma source(%arg31 : memref<80x128xf32, #tpu.memory_space<vmem>>) target(%dma_start3A_270 : memref<10000x128xf32, #tpu.memory_space<vmem_shared>>) offsets(%arg15 : memref<80xi32, #tpu.memory_space<vmem>>) semaphore(%arg35 : memref<!tpu.dma_semaphore, #tpu.memory_space<semaphore_mem>>) {add = true}
      %dma_wait3A_271 = arith.constant 0 : i32
      %dma_wait3A_272 = arith.constant 0 : i32
      %dma_wait3A_273 = tpu.memref_slice %arg2[%dma_wait3A_271, %dma_wait3A_272] : memref<10000x128xf32, #tpu.memory_space<hbm>> -> memref<10000x128xf32, #tpu.memory_space<hbm>>
      tpu.wait_indirect_dma semaphore(%arg36 : memref<!tpu.dma_semaphore, #tpu.memory_space<semaphore_mem>>) src(%dma_wait3A_273 : memref<10000x128xf32, #tpu.memory_space<hbm>>) dst(%arg32 : memref<80x128xf32, #tpu.memory_space<vmem>>)
      %dma_start3A_274 = arith.constant 0 : i32
      %dma_start3A_275 = arith.constant 0 : i32
      %dma_start3A_276 = tpu.memref_slice %arg6[%dma_start3A_274, %dma_start3A_275] : memref<10000x128xf32, #tpu.memory_space<vmem_shared>> -> memref<10000x128xf32, #tpu.memory_space<vmem_shared>>
      tpu.enqueue_indirect_dma source(%arg32 : memref<80x128xf32, #tpu.memory_space<vmem>>) target(%dma_start3A_276 : memref<10000x128xf32, #tpu.memory_space<vmem_shared>>) offsets(%arg16 : memref<80xi32, #tpu.memory_space<vmem>>) semaphore(%arg36 : memref<!tpu.dma_semaphore, #tpu.memory_space<semaphore_mem>>) {add = true}
      %add3A_277 = arith.constant 2 : i32
      %add3A_278 = arith.addi %add3A_257, %add3A_277 : i32
      %lt3A_279 = arith.constant 62 : i32
      %lt3A_280 = arith.cmpi slt, %add3A_278, %lt3A_279 : i32
      %convert_element_type3A_281 = arith.extui %lt3A_280 : i1 to i32
      %cond3A_282 = arith.constant 0 : i32
      %cond3A_283 = arith.cmpi ne, %convert_element_type3A_281, %cond3A_282 : i32
      scf.if %cond3A_283 {
        %add3A_312 = arith.constant 2 : i32
        %add3A_313 = arith.addi %add3A_257, %add3A_312 : i32
        %mul3A_314 = arith.constant 2 : i32
        %mul3A_315 = arith.muli %add3A_313, %mul3A_314 : i32
        %add3A_316 = arith.constant 0 : i32
        %add3A_317 = arith.addi %mul3A_315, %add3A_316 : i32
        %mul3A_318 = arith.constant 80 : i32
        %mul3A_319 = arith.muli %add3A_317, %mul3A_318 : i32
        %add3A_320 = arith.addi %add3A, %mul3A_319 : i32
        %dma_start3A_321 = tpu.memref_slice %arg3[%add3A_320] : memref<640000xi32, #tpu.memory_space<hbm>> -> memref<80xi32, #tpu.memory_space<hbm>>
        %dma_start3A_322 = tpu.memref_slice %arg3[%add3A_320] : memref<640000xi32, #tpu.memory_space<hbm>> -> memref<80xi32, #tpu.memory_space<hbm>>
        tpu.enqueue_dma source(%dma_start3A_322 : memref<80xi32, #tpu.memory_space<hbm>>) target(%arg11 : memref<80xi32, #tpu.memory_space<vmem>>) target_semaphore(%arg27 : memref<!tpu.dma_semaphore, #tpu.memory_space<semaphore_mem>>)
        %add3A_323 = arith.constant 320000 : i32
        %add3A_324 = arith.addi %add3A_323, %add3A_320 : i32
        %dma_start3A_325 = tpu.memref_slice %arg3[%add3A_324] : memref<640000xi32, #tpu.memory_space<hbm>> -> memref<80xi32, #tpu.memory_space<hbm>>
        %dma_start3A_326 = tpu.memref_slice %arg3[%add3A_324] : memref<640000xi32, #tpu.memory_space<hbm>> -> memref<80xi32, #tpu.memory_space<hbm>>
        tpu.enqueue_dma source(%dma_start3A_326 : memref<80xi32, #tpu.memory_space<hbm>>) target(%arg19 : memref<80xi32, #tpu.memory_space<vmem>>) target_semaphore(%arg27 : memref<!tpu.dma_semaphore, #tpu.memory_space<semaphore_mem>>)
        %mul3A_327 = arith.constant 2 : i32
        %mul3A_328 = arith.muli %add3A_313, %mul3A_327 : i32
        %add3A_329 = arith.constant 1 : i32
        %add3A_330 = arith.addi %mul3A_328, %add3A_329 : i32
        %mul3A_331 = arith.constant 80 : i32
        %mul3A_332 = arith.muli %add3A_330, %mul3A_331 : i32
        %add3A_333 = arith.addi %add3A, %mul3A_332 : i32
        %dma_start3A_334 = tpu.memref_slice %arg3[%add3A_333] : memref<640000xi32, #tpu.memory_space<hbm>> -> memref<80xi32, #tpu.memory_space<hbm>>
        %dma_start3A_335 = tpu.memref_slice %arg3[%add3A_333] : memref<640000xi32, #tpu.memory_space<hbm>> -> memref<80xi32, #tpu.memory_space<hbm>>
        tpu.enqueue_dma source(%dma_start3A_335 : memref<80xi32, #tpu.memory_space<hbm>>) target(%arg12 : memref<80xi32, #tpu.memory_space<vmem>>) target_semaphore(%arg28 : memref<!tpu.dma_semaphore, #tpu.memory_space<semaphore_mem>>)
        %add3A_336 = arith.constant 320000 : i32
        %add3A_337 = arith.addi %add3A_336, %add3A_333 : i32
        %dma_start3A_338 = tpu.memref_slice %arg3[%add3A_337] : memref<640000xi32, #tpu.memory_space<hbm>> -> memref<80xi32, #tpu.memory_space<hbm>>
        %dma_start3A_339 = tpu.memref_slice %arg3[%add3A_337] : memref<640000xi32, #tpu.memory_space<hbm>> -> memref<80xi32, #tpu.memory_space<hbm>>
        tpu.enqueue_dma source(%dma_start3A_339 : memref<80xi32, #tpu.memory_space<hbm>>) target(%arg20 : memref<80xi32, #tpu.memory_space<vmem>>) target_semaphore(%arg28 : memref<!tpu.dma_semaphore, #tpu.memory_space<semaphore_mem>>)
      } else {
      }
      %add3A_284 = arith.constant 3 : i32
      %add3A_285 = arith.addi %add3A_202, %add3A_284 : i32
      %add3A_286 = arith.constant 1 : i32
      %add3A_287 = arith.addi %add3A_285, %add3A_286 : i32
      %lt3A_288 = arith.constant 62 : i32
      %lt3A_289 = arith.cmpi slt, %add3A_287, %lt3A_288 : i32
      %convert_element_type3A_290 = arith.extui %lt3A_289 : i1 to i32
      %cond3A_291 = arith.constant 0 : i32
      %cond3A_292 = arith.cmpi ne, %convert_element_type3A_290, %cond3A_291 : i32
      scf.if %cond3A_292 {
        %dma_wait3A_312 = arith.constant 0 : i32
        %dma_wait3A_313 = arith.constant 0 : i32
        %dma_wait3A_314 = tpu.memref_slice %arg6[%dma_wait3A_312, %dma_wait3A_313] : memref<10000x128xf32, #tpu.memory_space<vmem_shared>> -> memref<10000x128xf32, #tpu.memory_space<vmem_shared>>
        tpu.wait_indirect_dma semaphore(%arg35 : memref<!tpu.dma_semaphore, #tpu.memory_space<semaphore_mem>>) src(%arg31 : memref<80x128xf32, #tpu.memory_space<vmem>>) dst(%dma_wait3A_314 : memref<10000x128xf32, #tpu.memory_space<vmem_shared>>)
        %dma_wait3A_315 = arith.constant 0 : i32
        %dma_wait3A_316 = arith.constant 0 : i32
        %dma_wait3A_317 = tpu.memref_slice %arg6[%dma_wait3A_315, %dma_wait3A_316] : memref<10000x128xf32, #tpu.memory_space<vmem_shared>> -> memref<10000x128xf32, #tpu.memory_space<vmem_shared>>
        tpu.wait_indirect_dma semaphore(%arg36 : memref<!tpu.dma_semaphore, #tpu.memory_space<semaphore_mem>>) src(%arg32 : memref<80x128xf32, #tpu.memory_space<vmem>>) dst(%dma_wait3A_317 : memref<10000x128xf32, #tpu.memory_space<vmem_shared>>)
        %dma_wait3A_318 = arith.constant 0 : i32
        %dma_wait3A_319 = tpu.memref_slice %arg3[%dma_wait3A_318] : memref<640000xi32, #tpu.memory_space<hbm>> -> memref<80xi32, #tpu.memory_space<hbm>>
        %dma_wait3A_320 = arith.constant 0 : i32
        %dma_wait3A_321 = tpu.memref_slice %arg3[%dma_wait3A_320] : memref<640000xi32, #tpu.memory_space<hbm>> -> memref<80xi32, #tpu.memory_space<hbm>>
        tpu.wait_dma2 semaphore(%arg27 : memref<!tpu.dma_semaphore, #tpu.memory_space<semaphore_mem>>) src(%dma_wait3A_321 : memref<80xi32, #tpu.memory_space<hbm>>) dst(%arg11 : memref<80xi32, #tpu.memory_space<vmem>>)
        %dma_wait3A_322 = arith.constant 0 : i32
        %dma_wait3A_323 = tpu.memref_slice %arg3[%dma_wait3A_322] : memref<640000xi32, #tpu.memory_space<hbm>> -> memref<80xi32, #tpu.memory_space<hbm>>
        %dma_wait3A_324 = arith.constant 0 : i32
        %dma_wait3A_325 = tpu.memref_slice %arg3[%dma_wait3A_324] : memref<640000xi32, #tpu.memory_space<hbm>> -> memref<80xi32, #tpu.memory_space<hbm>>
        tpu.wait_dma2 semaphore(%arg27 : memref<!tpu.dma_semaphore, #tpu.memory_space<semaphore_mem>>) src(%dma_wait3A_325 : memref<80xi32, #tpu.memory_space<hbm>>) dst(%arg19 : memref<80xi32, #tpu.memory_space<vmem>>)
        %dma_wait3A_326 = arith.constant 0 : i32
        %dma_wait3A_327 = tpu.memref_slice %arg3[%dma_wait3A_326] : memref<640000xi32, #tpu.memory_space<hbm>> -> memref<80xi32, #tpu.memory_space<hbm>>
        %dma_wait3A_328 = arith.constant 0 : i32
        %dma_wait3A_329 = tpu.memref_slice %arg3[%dma_wait3A_328] : memref<640000xi32, #tpu.memory_space<hbm>> -> memref<80xi32, #tpu.memory_space<hbm>>
        tpu.wait_dma2 semaphore(%arg28 : memref<!tpu.dma_semaphore, #tpu.memory_space<semaphore_mem>>) src(%dma_wait3A_329 : memref<80xi32, #tpu.memory_space<hbm>>) dst(%arg12 : memref<80xi32, #tpu.memory_space<vmem>>)
        %dma_wait3A_330 = arith.constant 0 : i32
        %dma_wait3A_331 = tpu.memref_slice %arg3[%dma_wait3A_330] : memref<640000xi32, #tpu.memory_space<hbm>> -> memref<80xi32, #tpu.memory_space<hbm>>
        %dma_wait3A_332 = arith.constant 0 : i32
        %dma_wait3A_333 = tpu.memref_slice %arg3[%dma_wait3A_332] : memref<640000xi32, #tpu.memory_space<hbm>> -> memref<80xi32, #tpu.memory_space<hbm>>
        tpu.wait_dma2 semaphore(%arg28 : memref<!tpu.dma_semaphore, #tpu.memory_space<semaphore_mem>>) src(%dma_wait3A_333 : memref<80xi32, #tpu.memory_space<hbm>>) dst(%arg20 : memref<80xi32, #tpu.memory_space<vmem>>)
        %dma_start3A_334 = arith.constant 0 : i32
        %dma_start3A_335 = arith.constant 0 : i32
        %dma_start3A_336 = tpu.memref_slice %arg2[%dma_start3A_334, %dma_start3A_335] : memref<10000x128xf32, #tpu.memory_space<hbm>> -> memref<10000x128xf32, #tpu.memory_space<hbm>>
        tpu.enqueue_indirect_dma source(%dma_start3A_336 : memref<10000x128xf32, #tpu.memory_space<hbm>>) target(%arg31 : memref<80x128xf32, #tpu.memory_space<vmem>>) offsets(%arg11 : memref<80xi32, #tpu.memory_space<vmem>>) semaphore(%arg35 : memref<!tpu.dma_semaphore, #tpu.memory_space<semaphore_mem>>)
        %dma_start3A_337 = arith.constant 0 : i32
        %dma_start3A_338 = arith.constant 0 : i32
        %dma_start3A_339 = tpu.memref_slice %arg2[%dma_start3A_337, %dma_start3A_338] : memref<10000x128xf32, #tpu.memory_space<hbm>> -> memref<10000x128xf32, #tpu.memory_space<hbm>>
        tpu.enqueue_indirect_dma source(%dma_start3A_339 : memref<10000x128xf32, #tpu.memory_space<hbm>>) target(%arg32 : memref<80x128xf32, #tpu.memory_space<vmem>>) offsets(%arg12 : memref<80xi32, #tpu.memory_space<vmem>>) semaphore(%arg36 : memref<!tpu.dma_semaphore, #tpu.memory_space<semaphore_mem>>)
      } else {
      }
      %dma_wait3A_293 = arith.constant 0 : i32
      %dma_wait3A_294 = arith.constant 0 : i32
      %dma_wait3A_295 = tpu.memref_slice %arg2[%dma_wait3A_293, %dma_wait3A_294] : memref<10000x128xf32, #tpu.memory_space<hbm>> -> memref<10000x128xf32, #tpu.memory_space<hbm>>
      tpu.wait_indirect_dma semaphore(%arg37 : memref<!tpu.dma_semaphore, #tpu.memory_space<semaphore_mem>>) src(%dma_wait3A_295 : memref<10000x128xf32, #tpu.memory_space<hbm>>) dst(%arg33 : memref<80x128xf32, #tpu.memory_space<vmem>>)
      %dma_start3A_296 = arith.constant 0 : i32
      %dma_start3A_297 = arith.constant 0 : i32
      %dma_start3A_298 = tpu.memref_slice %arg6[%dma_start3A_296, %dma_start3A_297] : memref<10000x128xf32, #tpu.memory_space<vmem_shared>> -> memref<10000x128xf32, #tpu.memory_space<vmem_shared>>
      tpu.enqueue_indirect_dma source(%arg33 : memref<80x128xf32, #tpu.memory_space<vmem>>) target(%dma_start3A_298 : memref<10000x128xf32, #tpu.memory_space<vmem_shared>>) offsets(%arg17 : memref<80xi32, #tpu.memory_space<vmem>>) semaphore(%arg37 : memref<!tpu.dma_semaphore, #tpu.memory_space<semaphore_mem>>) {add = true}
      %dma_wait3A_299 = arith.constant 0 : i32
      %dma_wait3A_300 = arith.constant 0 : i32
      %dma_wait3A_301 = tpu.memref_slice %arg2[%dma_wait3A_299, %dma_wait3A_300] : memref<10000x128xf32, #tpu.memory_space<hbm>> -> memref<10000x128xf32, #tpu.memory_space<hbm>>
      tpu.wait_indirect_dma semaphore(%arg38 : memref<!tpu.dma_semaphore, #tpu.memory_space<semaphore_mem>>) src(%dma_wait3A_301 : memref<10000x128xf32, #tpu.memory_space<hbm>>) dst(%arg34 : memref<80x128xf32, #tpu.memory_space<vmem>>)
      %dma_start3A_302 = arith.constant 0 : i32
      %dma_start3A_303 = arith.constant 0 : i32
      %dma_start3A_304 = tpu.memref_slice %arg6[%dma_start3A_302, %dma_start3A_303] : memref<10000x128xf32, #tpu.memory_space<vmem_shared>> -> memref<10000x128xf32, #tpu.memory_space<vmem_shared>>
      tpu.enqueue_indirect_dma source(%arg34 : memref<80x128xf32, #tpu.memory_space<vmem>>) target(%dma_start3A_304 : memref<10000x128xf32, #tpu.memory_space<vmem_shared>>) offsets(%arg18 : memref<80xi32, #tpu.memory_space<vmem>>) semaphore(%arg38 : memref<!tpu.dma_semaphore, #tpu.memory_space<semaphore_mem>>) {add = true}
      %add3A_305 = arith.constant 2 : i32
      %add3A_306 = arith.addi %add3A_285, %add3A_305 : i32
      %lt3A_307 = arith.constant 62 : i32
      %lt3A_308 = arith.cmpi slt, %add3A_306, %lt3A_307 : i32
      %convert_element_type3A_309 = arith.extui %lt3A_308 : i1 to i32
      %cond3A_310 = arith.constant 0 : i32
      %cond3A_311 = arith.cmpi ne, %convert_element_type3A_309, %cond3A_310 : i32
      scf.if %cond3A_311 {
        %add3A_312 = arith.constant 2 : i32
        %add3A_313 = arith.addi %add3A_285, %add3A_312 : i32
        %mul3A_314 = arith.constant 2 : i32
        %mul3A_315 = arith.muli %add3A_313, %mul3A_314 : i32
        %add3A_316 = arith.constant 0 : i32
        %add3A_317 = arith.addi %mul3A_315, %add3A_316 : i32
        %mul3A_318 = arith.constant 80 : i32
        %mul3A_319 = arith.muli %add3A_317, %mul3A_318 : i32
        %add3A_320 = arith.addi %add3A, %mul3A_319 : i32
        %dma_start3A_321 = tpu.memref_slice %arg3[%add3A_320] : memref<640000xi32, #tpu.memory_space<hbm>> -> memref<80xi32, #tpu.memory_space<hbm>>
        %dma_start3A_322 = tpu.memref_slice %arg3[%add3A_320] : memref<640000xi32, #tpu.memory_space<hbm>> -> memref<80xi32, #tpu.memory_space<hbm>>
        tpu.enqueue_dma source(%dma_start3A_322 : memref<80xi32, #tpu.memory_space<hbm>>) target(%arg13 : memref<80xi32, #tpu.memory_space<vmem>>) target_semaphore(%arg29 : memref<!tpu.dma_semaphore, #tpu.memory_space<semaphore_mem>>)
        %add3A_323 = arith.constant 320000 : i32
        %add3A_324 = arith.addi %add3A_323, %add3A_320 : i32
        %dma_start3A_325 = tpu.memref_slice %arg3[%add3A_324] : memref<640000xi32, #tpu.memory_space<hbm>> -> memref<80xi32, #tpu.memory_space<hbm>>
        %dma_start3A_326 = tpu.memref_slice %arg3[%add3A_324] : memref<640000xi32, #tpu.memory_space<hbm>> -> memref<80xi32, #tpu.memory_space<hbm>>
        tpu.enqueue_dma source(%dma_start3A_326 : memref<80xi32, #tpu.memory_space<hbm>>) target(%arg21 : memref<80xi32, #tpu.memory_space<vmem>>) target_semaphore(%arg29 : memref<!tpu.dma_semaphore, #tpu.memory_space<semaphore_mem>>)
        %mul3A_327 = arith.constant 2 : i32
        %mul3A_328 = arith.muli %add3A_313, %mul3A_327 : i32
        %add3A_329 = arith.constant 1 : i32
        %add3A_330 = arith.addi %mul3A_328, %add3A_329 : i32
        %mul3A_331 = arith.constant 80 : i32
        %mul3A_332 = arith.muli %add3A_330, %mul3A_331 : i32
        %add3A_333 = arith.addi %add3A, %mul3A_332 : i32
        %dma_start3A_334 = tpu.memref_slice %arg3[%add3A_333] : memref<640000xi32, #tpu.memory_space<hbm>> -> memref<80xi32, #tpu.memory_space<hbm>>
        %dma_start3A_335 = tpu.memref_slice %arg3[%add3A_333] : memref<640000xi32, #tpu.memory_space<hbm>> -> memref<80xi32, #tpu.memory_space<hbm>>
        tpu.enqueue_dma source(%dma_start3A_335 : memref<80xi32, #tpu.memory_space<hbm>>) target(%arg14 : memref<80xi32, #tpu.memory_space<vmem>>) target_semaphore(%arg30 : memref<!tpu.dma_semaphore, #tpu.memory_space<semaphore_mem>>)
        %add3A_336 = arith.constant 320000 : i32
        %add3A_337 = arith.addi %add3A_336, %add3A_333 : i32
        %dma_start3A_338 = tpu.memref_slice %arg3[%add3A_337] : memref<640000xi32, #tpu.memory_space<hbm>> -> memref<80xi32, #tpu.memory_space<hbm>>
        %dma_start3A_339 = tpu.memref_slice %arg3[%add3A_337] : memref<640000xi32, #tpu.memory_space<hbm>> -> memref<80xi32, #tpu.memory_space<hbm>>
        tpu.enqueue_dma source(%dma_start3A_339 : memref<80xi32, #tpu.memory_space<hbm>>) target(%arg22 : memref<80xi32, #tpu.memory_space<vmem>>) target_semaphore(%arg30 : memref<!tpu.dma_semaphore, #tpu.memory_space<semaphore_mem>>)
      } else {
      }
    }
    %scan3A_169 = arith.constant 15 : i32
    %dma_wait3A_170 = arith.constant 0 : i32
    %dma_wait3A_171 = arith.constant 0 : i32
    %dma_wait3A_172 = tpu.memref_slice %arg6[%dma_wait3A_170, %dma_wait3A_171] : memref<10000x128xf32, #tpu.memory_space<vmem_shared>> -> memref<10000x128xf32, #tpu.memory_space<vmem_shared>>
    tpu.wait_indirect_dma semaphore(%arg35 : memref<!tpu.dma_semaphore, #tpu.memory_space<semaphore_mem>>) src(%arg31 : memref<80x128xf32, #tpu.memory_space<vmem>>) dst(%dma_wait3A_172 : memref<10000x128xf32, #tpu.memory_space<vmem_shared>>)
    %dma_wait3A_173 = arith.constant 0 : i32
    %dma_wait3A_174 = arith.constant 0 : i32
    %dma_wait3A_175 = tpu.memref_slice %arg6[%dma_wait3A_173, %dma_wait3A_174] : memref<10000x128xf32, #tpu.memory_space<vmem_shared>> -> memref<10000x128xf32, #tpu.memory_space<vmem_shared>>
    tpu.wait_indirect_dma semaphore(%arg36 : memref<!tpu.dma_semaphore, #tpu.memory_space<semaphore_mem>>) src(%arg32 : memref<80x128xf32, #tpu.memory_space<vmem>>) dst(%dma_wait3A_175 : memref<10000x128xf32, #tpu.memory_space<vmem_shared>>)
    %dma_wait3A_176 = arith.constant 0 : i32
    %dma_wait3A_177 = arith.constant 0 : i32
    %dma_wait3A_178 = tpu.memref_slice %arg6[%dma_wait3A_176, %dma_wait3A_177] : memref<10000x128xf32, #tpu.memory_space<vmem_shared>> -> memref<10000x128xf32, #tpu.memory_space<vmem_shared>>
    tpu.wait_indirect_dma semaphore(%arg37 : memref<!tpu.dma_semaphore, #tpu.memory_space<semaphore_mem>>) src(%arg33 : memref<80x128xf32, #tpu.memory_space<vmem>>) dst(%dma_wait3A_178 : memref<10000x128xf32, #tpu.memory_space<vmem_shared>>)
    %dma_wait3A_179 = arith.constant 0 : i32
    %dma_wait3A_180 = arith.constant 0 : i32
    %dma_wait3A_181 = tpu.memref_slice %arg6[%dma_wait3A_179, %dma_wait3A_180] : memref<10000x128xf32, #tpu.memory_space<vmem_shared>> -> memref<10000x128xf32, #tpu.memory_space<vmem_shared>>
    tpu.wait_indirect_dma semaphore(%arg38 : memref<!tpu.dma_semaphore, #tpu.memory_space<semaphore_mem>>) src(%arg34 : memref<80x128xf32, #tpu.memory_space<vmem>>) dst(%dma_wait3A_181 : memref<10000x128xf32, #tpu.memory_space<vmem_shared>>)
    %add3A_182 = arith.constant 9920 : i32
    %add3A_183 = arith.addi %add3A, %add3A_182 : i32
    "tpu.region"() ({
      %run_scoped3A = tpu.sem_alloc : memref<!tpu.dma_semaphore, #tpu.memory_space<semaphore_mem>>
      %dma_start3A_198 = tpu.memref_slice %arg3[%add3A_183] : memref<640000xi32, #tpu.memory_space<hbm>> -> memref<80xi32, #tpu.memory_space<hbm>>
      %dma_start3A_199 = tpu.memref_slice %arg3[%add3A_183] : memref<640000xi32, #tpu.memory_space<hbm>> -> memref<80xi32, #tpu.memory_space<hbm>>
      tpu.enqueue_dma source(%dma_start3A_199 : memref<80xi32, #tpu.memory_space<hbm>>) target(%arg7 : memref<80xi32, #tpu.memory_space<vmem>>) target_semaphore(%run_scoped3A : memref<!tpu.dma_semaphore, #tpu.memory_space<semaphore_mem>>)
      %dma_wait3A_200 = tpu.memref_slice %arg3[%add3A_183] : memref<640000xi32, #tpu.memory_space<hbm>> -> memref<80xi32, #tpu.memory_space<hbm>>
      %dma_wait3A_201 = tpu.memref_slice %arg3[%add3A_183] : memref<640000xi32, #tpu.memory_space<hbm>> -> memref<80xi32, #tpu.memory_space<hbm>>
      tpu.wait_dma2 semaphore(%run_scoped3A : memref<!tpu.dma_semaphore, #tpu.memory_space<semaphore_mem>>) src(%dma_wait3A_201 : memref<80xi32, #tpu.memory_space<hbm>>) dst(%arg7 : memref<80xi32, #tpu.memory_space<vmem>>)
      tpu.yield
    }) : () -> ()
    %add3A_184 = arith.constant 320000 : i32
    %add3A_185 = arith.addi %add3A_184, %add3A_183 : i32
    "tpu.region"() ({
      %run_scoped3A = tpu.sem_alloc : memref<!tpu.dma_semaphore, #tpu.memory_space<semaphore_mem>>
      %dma_start3A_198 = tpu.memref_slice %arg3[%add3A_185] : memref<640000xi32, #tpu.memory_space<hbm>> -> memref<80xi32, #tpu.memory_space<hbm>>
      %dma_start3A_199 = tpu.memref_slice %arg3[%add3A_185] : memref<640000xi32, #tpu.memory_space<hbm>> -> memref<80xi32, #tpu.memory_space<hbm>>
      tpu.enqueue_dma source(%dma_start3A_199 : memref<80xi32, #tpu.memory_space<hbm>>) target(%arg15 : memref<80xi32, #tpu.memory_space<vmem>>) target_semaphore(%run_scoped3A : memref<!tpu.dma_semaphore, #tpu.memory_space<semaphore_mem>>)
      %dma_wait3A_200 = tpu.memref_slice %arg3[%add3A_185] : memref<640000xi32, #tpu.memory_space<hbm>> -> memref<80xi32, #tpu.memory_space<hbm>>
      %dma_wait3A_201 = tpu.memref_slice %arg3[%add3A_185] : memref<640000xi32, #tpu.memory_space<hbm>> -> memref<80xi32, #tpu.memory_space<hbm>>
      tpu.wait_dma2 semaphore(%run_scoped3A : memref<!tpu.dma_semaphore, #tpu.memory_space<semaphore_mem>>) src(%dma_wait3A_201 : memref<80xi32, #tpu.memory_space<hbm>>) dst(%arg15 : memref<80xi32, #tpu.memory_space<vmem>>)
      tpu.yield
    }) : () -> ()
    %dma_start3A_186 = arith.constant 0 : i32
    %dma_start3A_187 = arith.constant 0 : i32
    %dma_start3A_188 = tpu.memref_slice %arg2[%dma_start3A_186, %dma_start3A_187] : memref<10000x128xf32, #tpu.memory_space<hbm>> -> memref<10000x128xf32, #tpu.memory_space<hbm>>
    tpu.enqueue_indirect_dma source(%dma_start3A_188 : memref<10000x128xf32, #tpu.memory_space<hbm>>) target(%arg31 : memref<80x128xf32, #tpu.memory_space<vmem>>) offsets(%arg7 : memref<80xi32, #tpu.memory_space<vmem>>) semaphore(%arg35 : memref<!tpu.dma_semaphore, #tpu.memory_space<semaphore_mem>>)
    %dma_wait3A_189 = arith.constant 0 : i32
    %dma_wait3A_190 = arith.constant 0 : i32
    %dma_wait3A_191 = tpu.memref_slice %arg2[%dma_wait3A_189, %dma_wait3A_190] : memref<10000x128xf32, #tpu.memory_space<hbm>> -> memref<10000x128xf32, #tpu.memory_space<hbm>>
    tpu.wait_indirect_dma semaphore(%arg35 : memref<!tpu.dma_semaphore, #tpu.memory_space<semaphore_mem>>) src(%dma_wait3A_191 : memref<10000x128xf32, #tpu.memory_space<hbm>>) dst(%arg31 : memref<80x128xf32, #tpu.memory_space<vmem>>)
    "tpu.region"() ({
      %run_scoped3A = tpu.sem_alloc : memref<!tpu.dma_semaphore, #tpu.memory_space<semaphore_mem>>
      %dma_start3A_198 = arith.constant 0 : i32
      %dma_start3A_199 = arith.constant 0 : i32
      %dma_start3A_200 = tpu.memref_slice %arg6[%dma_start3A_198, %dma_start3A_199] : memref<10000x128xf32, #tpu.memory_space<vmem_shared>> -> memref<10000x128xf32, #tpu.memory_space<vmem_shared>>
      tpu.enqueue_indirect_dma source(%arg31 : memref<80x128xf32, #tpu.memory_space<vmem>>) target(%dma_start3A_200 : memref<10000x128xf32, #tpu.memory_space<vmem_shared>>) offsets(%arg15 : memref<80xi32, #tpu.memory_space<vmem>>) semaphore(%run_scoped3A : memref<!tpu.dma_semaphore, #tpu.memory_space<semaphore_mem>>) {add = true}
      %dma_wait3A_201 = arith.constant 0 : i32
      %dma_wait3A_202 = arith.constant 0 : i32
      %dma_wait3A_203 = tpu.memref_slice %arg6[%dma_wait3A_201, %dma_wait3A_202] : memref<10000x128xf32, #tpu.memory_space<vmem_shared>> -> memref<10000x128xf32, #tpu.memory_space<vmem_shared>>
      tpu.wait_indirect_dma semaphore(%run_scoped3A : memref<!tpu.dma_semaphore, #tpu.memory_space<semaphore_mem>>) src(%arg31 : memref<80x128xf32, #tpu.memory_space<vmem>>) dst(%dma_wait3A_203 : memref<10000x128xf32, #tpu.memory_space<vmem_shared>>)
      tpu.yield
    }) : () -> ()
    %barrier3A_192 = arith.constant 0 : index
    tpu.barrier barrier_id(%barrier3A_192)
    "tpu.region"() ({
      %run_scoped3A = tpu.sem_alloc : memref<!tpu.dma_semaphore, #tpu.memory_space<semaphore_mem>>
      %dma_start3A_198 = arith.constant 0 : i32
      %dma_start3A_199 = tpu.memref_slice %arg5[%arg0, %mul3A_4, %dma_start3A_198] : memref<2x10000x128xf32, #tpu.memory_space<hbm>> -> memref<1x624x128xf32, #tpu.memory_space<hbm>>
      %dma_start3A_200 = tpu.memref_squeeze %dma_start3A_199 : memref<1x624x128xf32, #tpu.memory_space<hbm>> -> memref<624x128xf32, #tpu.memory_space<hbm>>
      %dma_start3A_201 = arith.constant 0 : i32
      %dma_start3A_202 = tpu.memref_slice %arg6[%mul3A_4, %dma_start3A_201] : memref<10000x128xf32, #tpu.memory_space<vmem_shared>> -> memref<624x128xf32, #tpu.memory_space<vmem_shared>>
      tpu.enqueue_dma source(%dma_start3A_202 : memref<624x128xf32, #tpu.memory_space<vmem_shared>>) target(%dma_start3A_200 : memref<624x128xf32, #tpu.memory_space<hbm>>) target_semaphore(%run_scoped3A : memref<!tpu.dma_semaphore, #tpu.memory_space<semaphore_mem>>)
      %dma_wait3A_203 = arith.constant 0 : i32
      %dma_wait3A_204 = tpu.memref_slice %arg5[%arg0, %mul3A_4, %dma_wait3A_203] : memref<2x10000x128xf32, #tpu.memory_space<hbm>> -> memref<1x624x128xf32, #tpu.memory_space<hbm>>
      %dma_wait3A_205 = tpu.memref_squeeze %dma_wait3A_204 : memref<1x624x128xf32, #tpu.memory_space<hbm>> -> memref<624x128xf32, #tpu.memory_space<hbm>>
      %dma_wait3A_206 = arith.constant 0 : i32
      %dma_wait3A_207 = tpu.memref_slice %arg6[%mul3A_4, %dma_wait3A_206] : memref<10000x128xf32, #tpu.memory_space<vmem_shared>> -> memref<624x128xf32, #tpu.memory_space<vmem_shared>>
      tpu.wait_dma2 semaphore(%run_scoped3A : memref<!tpu.dma_semaphore, #tpu.memory_space<semaphore_mem>>) src(%dma_wait3A_207 : memref<624x128xf32, #tpu.memory_space<vmem_shared>>) dst(%dma_wait3A_205 : memref<624x128xf32, #tpu.memory_space<hbm>>)
      tpu.yield
    }) : () -> ()
    %eq3A_193 = arith.constant 15 : i32
    %eq3A_194 = arith.cmpi eq, %arg1, %eq3A_193 : i32
    %convert_element_type3A_195 = arith.extui %eq3A_194 : i1 to i32
    %cond3A_196 = arith.constant 0 : i32
    %cond3A_197 = arith.cmpi ne, %convert_element_type3A_195, %cond3A_196 : i32
    scf.if %cond3A_197 {
      "tpu.region"() ({
        %run_scoped3A = tpu.sem_alloc : memref<!tpu.dma_semaphore, #tpu.memory_space<semaphore_mem>>
        %dma_start3A_198 = arith.constant 9984 : i32
        %dma_start3A_199 = arith.constant 0 : i32
        %dma_start3A_200 = tpu.memref_slice %arg5[%arg0, %dma_start3A_198, %dma_start3A_199] : memref<2x10000x128xf32, #tpu.memory_space<hbm>> -> memref<1x16x128xf32, #tpu.memory_space<hbm>>
        %dma_start3A_201 = tpu.memref_squeeze %dma_start3A_200 : memref<1x16x128xf32, #tpu.memory_space<hbm>> -> memref<16x128xf32, #tpu.memory_space<hbm>>
        %dma_start3A_202 = arith.constant 9984 : i32
        %dma_start3A_203 = arith.constant 0 : i32
        %dma_start3A_204 = tpu.memref_slice %arg6[%dma_start3A_202, %dma_start3A_203] : memref<10000x128xf32, #tpu.memory_space<vmem_shared>> -> memref<16x128xf32, #tpu.memory_space<vmem_shared>>
        tpu.enqueue_dma source(%dma_start3A_204 : memref<16x128xf32, #tpu.memory_space<vmem_shared>>) target(%dma_start3A_201 : memref<16x128xf32, #tpu.memory_space<hbm>>) target_semaphore(%run_scoped3A : memref<!tpu.dma_semaphore, #tpu.memory_space<semaphore_mem>>)
        %dma_wait3A_205 = arith.constant 9984 : i32
        %dma_wait3A_206 = arith.constant 0 : i32
        %dma_wait3A_207 = tpu.memref_slice %arg5[%arg0, %dma_wait3A_205, %dma_wait3A_206] : memref<2x10000x128xf32, #tpu.memory_space<hbm>> -> memref<1x16x128xf32, #tpu.memory_space<hbm>>
        %dma_wait3A_208 = tpu.memref_squeeze %dma_wait3A_207 : memref<1x16x128xf32, #tpu.memory_space<hbm>> -> memref<16x128xf32, #tpu.memory_space<hbm>>
        %dma_wait3A_209 = arith.constant 9984 : i32
        %dma_wait3A_210 = arith.constant 0 : i32
        %dma_wait3A_211 = tpu.memref_slice %arg6[%dma_wait3A_209, %dma_wait3A_210] : memref<10000x128xf32, #tpu.memory_space<vmem_shared>> -> memref<16x128xf32, #tpu.memory_space<vmem_shared>>
        tpu.wait_dma2 semaphore(%run_scoped3A : memref<!tpu.dma_semaphore, #tpu.memory_space<semaphore_mem>>) src(%dma_wait3A_211 : memref<16x128xf32, #tpu.memory_space<vmem_shared>>) dst(%dma_wait3A_208 : memref<16x128xf32, #tpu.memory_space<hbm>>)
        tpu.yield
      }) : () -> ()
    } else {
    }
    return
  }
}

</mosaic_0001>

<sc_bundles>
// kernel: _sc_agg.3.cloned.1.call-start
scs
__scs_entry_jumppad:
0x0: {  	(pc) =	sbr.rel $0x88, $3  }
0x1: {  	(tag) =	ssettag $0x0;
	lr =	simm.s32 $0x1  }
0x2: {  	[smem:$0x3F9E] =	sst lr;
	_ =	strace $0xD0000000  }
0x3: {  	_ = 	snop  }
0x4: {  	_ = 	snop  }
0x5: {  	_ = 	snop  }
0x6: {  	_ = 	snop  }
0x7: {  	_ = 	snop  }
__scs_overlays_trampoline_lowered:
0x8: {  	[smem:$0x3FAD] =	sst s0  }
0x9: {  	[smem:$0x3FAE] =	sst s1  }
0xa: {  	[smem:$0x3FAF] =	sst s2  }
0xb: {  	[smem:$0x3FB0] =	sst s3  }
0xc: {  	[smem:$0x3FB1] =	sst s4  }
0xd: {  	[smem:$0x3FB2] =	sst s5  }
0xe: {  	[smem:$0x3FB3] =	sst s6  }
0xf: {  	[smem:$0x3FB4] =	sst s7  }
0x10: {  	[smem:$0x3FB5] =	sst s8  }
0x11: {  	[smem:$0x3FB6] =	sst s9;
	s0 =	simm.s32 @!p0 $0x0  }
0x12: {  	s1 =	sld [smem:$0x3F9C];
	s0 =	simm.s32 @p0 $0x1  }
0x13: {  	[smem:$0x3FB7] =	sst s0;
	s0 =	simm.s32 @!p1 $0x0  }
0x14: {  	s2 =	sld [smem:$0x3F9B];
	s0 =	simm.s32 @p1 $0x1  }
0x15: {  	[smem:$0x3FB8] =	sst s0;
	s0 =	simm.s32 @!p2 $0x0  }
0x16: {  	s3 =	sld [smem:$0x3FDB];
	s0 =	simm.s32 @p2 $0x1  }
0x17: {  	s4 =	simm.s32 $0x1BF5;
	[smem:$0x3FBA] =	sst s0  }
0x18: {  	s0 =	sld [smem:$0x3F9D];
	_ =	swait.ge [sflag:s4], $0x0  }
0x19: {  	s7 =	sld [smem:$0x3F9E]  }
0x1a: {  	s8 =	sadd.s32 $0xFFFFE003, lr  }
0x1b: {  	s9 =	sadd.s32 $0xFFFFFEF7, lr;
	s5 =	simm.s32 $0xFFFFFFFF;
	p2 =	slt.u32 s8, $0xFFFFF086  }
0x1c: {  	p1 =	slt.u32 s9, $0xF7A;
	s5 =	simm.s32 @!p2 $0x0  }
0x1d: {  	s5 =	simm.s32 @p1 $0x1;
	p0 =	seq.s32 s7, s2  }
0x1e: {  	s7 =	smul.u32 @!p0 $0xF7A, s2;
	p2 =	seq.s32 @!p0 s5, $0x0  }
0x1f: {  	s9 =	smul.u32 $0xF7A, s1;
	s8 =	simm.s32 @!p0 $0x1BF5;
	p2 =	por !p2, p0  }
0x20: {  	[sflag:s8] =	ssyncset.s32 @!p0 $0xFFFFF086;
	s6 =	sadd.s32 @!p0 s3, s7;
	s7 =	simm.s32 @!p0 $0x108  }
0x21: {  	s3 =	sadd.s32 s3, s9;
	s6 =	sadd.s32 @!p0 $0x88, s6;
	s7 =	simm.s32 @p2 $0x1082  }
0x22: {  	[simem:s7], [sflag:s8] =	dma.local @!p0 [hbm:s6], $0xF7A  }
0x23: {  	s9 =	sor.u32 $0xD0000000, s2;
	s6 =	simm.s32 $0x108;
	_ =	swait.ge @!p0 [sflag:s8], $0x0  }
0x24: {  	s3 =	sadd.s32 $0x88, s3;
	s6 =	simm.s32 @!p1 $0x1082;
	[sflag:s4] =	ssyncset.s32 $0xFFFFF086  }
0x25: {  	[simem:s6], [sflag:s4] =	dma.local [hbm:s3], $0xF7A  }
0x26: {  	[smem:$0x3F9E] =	sst s1;
	(tag) =	ssettag s2;
	_ =	strace s9  }
0x27: {  	s1 =	sld [smem:$0x3FAE]  }
0x28: {  	s2 =	sld [smem:$0x3FAF]  }
0x29: {  	s4 =	sld [smem:$0x3FB1]  }
0x2a: {  	p0 =	seq.s32 s5, $0x0;
	s5 =	sld [smem:$0x3FB2]  }
0x2b: {  	s6 =	sld [smem:$0x3FB3]  }
0x2c: {  	s7 =	sld [smem:$0x3FB4]  }
0x2d: {  	s3 =	simm.s32 $0x108;
	s8 =	sld [smem:$0x3FB5]  }
0x2e: {  	s3 =	simm.s32 @!p0 $0x1082;
	s9 =	sld [smem:$0x3FB6]  }
0x2f: {  	lr =	sadd.s32 s0, s3;
	s0 =	sld [smem:$0x3FAD]  }
0x30: {  	s3 =	sld [smem:$0x3FB0]  }
0x31: {  	[smem:$0x3FB9] =	sst s10  }
0x32: {  	s10 =	sld [smem:$0x3FB7];
	_ =	sdelay $0x3  }
0x33: {  	p0 =	seq.s32 s10, $0x1;
	s10 =	sld [smem:$0x3FB9];
	_ =	sdelay $0x3  }
0x34: {  	[smem:$0x3FB9] =	sst s10  }
0x35: {  	s10 =	sld [smem:$0x3FB8];
	_ =	sdelay $0x3  }
0x36: {  	p1 =	seq.s32 s10, $0x1;
	s10 =	sld [smem:$0x3FB9];
	_ =	sdelay $0x3  }
0x37: {  	[smem:$0x3FB9] =	sst s10  }
0x38: {  	s10 =	sld [smem:$0x3FBA]  }
0x39: {  	_ = 	snop;
	(pc) =	sbr.ind lr, $3  }
0x3a: {  	_ = 	snop  }
0x3b: {  	_ = 	snop  }
0x3c: {  	p2 =	seq.s32 s10, $0x1;
	s10 =	sld [smem:$0x3FB9]  }
0x3d: {  	_ =	shalt  }
0x3e: {  	_ =	shalt  }
0x3f: {  	_ =	shalt  }
0x40: {  	_ =	shalt  }
0x41: {  	_ =	shalt  }
0x42: {  	_ =	shalt  }
0x43: {  	_ =	shalt  }
0x44: {  	_ =	shalt  }
0x45: {  	_ =	shalt  }
0x46: {  	_ =	shalt  }
0x47: {  	_ =	shalt  }
0x48: {  	_ =	shalt  }
0x49: {  	_ =	shalt  }
0x4a: {  	_ =	shalt  }
0x4b: {  	_ =	shalt  }
0x4c: {  	_ =	shalt  }
0x4d: {  	_ =	shalt  }
0x4e: {  	_ =	shalt  }
0x4f: {  	_ =	shalt  }
0x50: {  	_ =	shalt  }
0x51: {  	_ =	shalt  }
0x52: {  	_ =	shalt  }
0x53: {  	_ =	shalt  }
0x54: {  	_ =	shalt  }
0x55: {  	_ =	shalt  }
0x56: {  	_ =	shalt  }
0x57: {  	_ =	shalt  }
0x58: {  	_ =	shalt  }
0x59: {  	_ =	shalt  }
0x5a: {  	_ =	shalt  }
0x5b: {  	_ =	shalt  }
0x5c: {  	_ =	shalt  }
0x5d: {  	_ =	shalt  }
0x5e: {  	_ =	shalt  }
0x5f: {  	_ =	shalt  }
0x60: {  	_ =	shalt  }
0x61: {  	_ =	shalt  }
0x62: {  	_ =	shalt  }
0x63: {  	_ =	shalt  }
0x64: {  	_ =	shalt  }
0x65: {  	_ =	shalt  }
0x66: {  	_ =	shalt  }
0x67: {  	_ =	shalt  }
0x68: {  	_ =	shalt  }
0x69: {  	_ =	shalt  }
0x6a: {  	_ =	shalt  }
0x6b: {  	_ =	shalt  }
0x6c: {  	_ =	shalt  }
0x6d: {  	_ =	shalt  }
0x6e: {  	_ =	shalt  }
0x6f: {  	_ =	shalt  }
0x70: {  	_ =	shalt  }
0x71: {  	_ =	shalt  }
0x72: {  	_ =	shalt  }
0x73: {  	_ =	shalt  }
0x74: {  	_ =	shalt  }
0x75: {  	_ =	shalt  }
0x76: {  	_ =	shalt  }
0x77: {  	_ =	shalt  }
0x78: {  	_ =	shalt  }
0x79: {  	_ =	shalt  }
0x7a: {  	_ =	shalt  }
0x7b: {  	_ =	shalt  }
0x7c: {  	_ =	shalt  }
0x7d: {  	_ =	shalt  }
0x7e: {  	_ =	shalt  }
0x7f: {  	_ =	shalt  }
0x80: {  	_ =	shalt  }
0x81: {  	_ =	shalt  }
0x82: {  	_ =	shalt  }
0x83: {  	_ =	shalt  }
0x84: {  	_ =	shalt  }
0x85: {  	_ =	shalt  }
0x86: {  	_ =	shalt  }
0x87: {  	_ =	shalt  }
.Lfunc_end0:
.L_simem_size_0:
called_computation_lowered:
.L_overlay_start_0:
0x88: {  	s2 =	sld [smem:$0x3FD9]  }
0x89: {  	s3 =	sld [smem:$0x3FFE];
	_ =	sdelay $0x1  }
0x8a: {  	s1 =	srdreg.scid  }
0x8b: {  	s0 =	sand.u32 $0x1, s1  }
0x8c: {  	s18 =	sshll.u32 s0, $0xA;
	s2 =	sadd.s32 s3, s2  }
0x8d: {  	s2 =	sadd.s32 s2, s18  }
0x8e: {  	[smem:$0x3FC5] =	sst s2  }
0x8f: {  	_ = 	snop  }
0x90: {  	s2 =	sld [smem:$0x3FC9]  }
0x91: {  	s19 =	sld [smem:$0x3FC8]  }
0x92: {  	s4 =	sld [smem:$0x3FC7]  }
0x93: {  	s5 =	sld [smem:$0x3FD0];
	(tm) =	ssettm $0x1  }
0x94: {  	s6 =	sld [smem:$0x3FFB];
	_ =	sdelay $0x3  }
0x95: {  	_ =	strace s6  }
0x96: {  	s6 =	sld [smem:$0x3FFC];
	_ =	sdelay $0x3  }
0x97: {  	_ =	strace s6  }
0x98: {  	s6 =	sld [smem:$0x3FFD];
	_ =	sdelay $0x3  }
0x99: {  	_ =	strace s6  }
0x9a: {  	_ =	strace $0x8FFFFFFF  }
0x9b: {  	s20 =	sld [smem:$0x3FDB];
	_ =	sdelay $0x1  }
0x9c: {  	s7 =	simm.s32 $_scs_section_size  }
0x9d: {  	s8 =	simm.s32 $_size__tile_overlayer_lowered;
	s9 =	simm.s32 $_tile_overlayer_lowered  }
0x9e: {  	s23 =	simm.s32 $0x1BFF;
	s22 =	sshll.u32 s9, $0x1;
	s6 =	sadd.s32 s7, s20  }
0x9f: {  	s10 =	simm.s32 $0x0;
	s21 =	sshll.u32 s8, $0x1;
	s8 =	sadd.s32 s22, s6  }
0xa0: {  	[timem:s10], [sflag:s23] =	dma.local [hbm:s8], s21  }
0xa1: {  	_ =	swait.ge [sflag:s23], s21  }
0xa2: {  	s7 =	ssub.s32 $0x0, s21;
	[sflag:s23] =	ssyncset.done $0x0  }
0xa3: {  	[sflag:s23] =	ssyncadd.s32 s7;
	_ =	sdelay $0x1  }
0xa4: {  	s24 =	simm.s32 $0x1B8B  }
0xa5: {  	_ =	swait.ge [sflag:s24], $0x1  }
0xa6: {  	[sflag:s24] =	ssyncset.done $0x0  }
0xa7: {  	s25 =	simm.s32 $0x1B8E;
	[sflag:s24] =	ssyncadd.s32 $0xFFFFFFFF  }
0xa8: {  	s26 =	simm.s32 $execute0_lowered;
	[smem:$0x3FD2] =	sst s25  }
0xa9: {  	s7 =	sshll.u32 s26, $0x1;
	_ =	strace $0x80000046;
	[dreg:$0x1] =	wrdreg $0xFFFFFFFF  }
0xaa: {  	s28 =	simm.s32 $_size_execute0_lowered;
	s6 =	sadd.s32 s6, s7;
	[dreg:$0x0] =	wrdreg $0x0  }
0xab: {  	s7 =	sshll.u32 s28, $0x1;
	[dreg:$0x2] =	wrdreg s6  }
0xac: {  	[dreg:$0x3] =	wrdreg s7  }
0xad: {  	[dreg:$0x4] =	wrdreg $0xC0  }
0xae: {  	_ =	task [dreg:s10], $0x5FFFF  }
0xaf: {  	[dreg:$0x1] =	wrdreg $0xFFFFFFFF  }
0xb0: {  	[dreg:$0x0] =	wrdreg $0x60  }
0xb1: {  	[dreg:$0x2] =	wrdreg s2  }
0xb2: {  	[dreg:$0x3] =	wrdreg s19  }
0xb3: {  	[dreg:$0x4] =	wrdreg s4  }
0xb4: {  	[dreg:$0x5] =	wrdreg s5  }
0xb5: {  	[dreg:$0x6] =	wrdreg $0x0  }
0xb6: {  	[dreg:$0x7] =	wrdreg $0x9  }
0xb7: {  	_ =	task.clear_ibuf [dreg:s10], $0x8FFFF;
	_ =	strace $0x90000046  }
0xb8: {  	s29 =	simm.s32 $0x9;
	_ =	strace $0x80000048  }
0xb9: {  	_ =	swait.ge [sflag:s29], $0x1  }
0xba: {  	[sflag:s29] =	ssyncadd.s32 $0xFFFFFFFF  }
0xbb: {  	_ =	strace $0x90000048  }
0xbc: {  	_ =	sfence  }
0xbd: {  	s30 =	sld [smem:$0x0];
	_ =	sdelay $0x2  }
0xbe: {  	s31 =	sshll.u32 s1, $0xD;
	s1 =	sshrl.u32 s1, $0x2  }
0xbf: {  	s3 =	sand.u32 $0x4000, s31;
	s1 =	sadd.s32 s1, s30  }
0xc0: {  	s0 =	sor.u32 s3, s0;
	s1 =	sshll.u32 s1, $0x11  }
0xc1: {  	s0 =	sor.u32 s1, s0  }
0xc2: {  	s0 =	sadd.s32 $0x8F2B, s0  }
0xc3: {  	[sflag:s0] =	ssyncadd.remote.s32 $0x1  }
0xc4: {  	_ =	sfence.sel $0xFFFF  }
0xc5: {  	[dreg:$0x0] =	wrdreg $0xFFFFFFFF;
	(pc) =	sbr.abs _section_cstart, $3  }
0xc6: {  	[dreg:$0x1] =	wrdreg $0xFFFFFFFF  }
0xc7: {  	_ =	task.clear_ibuf [dreg:s10], $0x2FFFF;
	_ =	strace $0x9FFFFFFF  }
0xc8: {  	(tm) =	ssettm $0x7FFFFFFF  }
0xc9: {  	_ =	shalt  }
tec
execute0_lowered:
.L_overlay_start_1:
0x0: {  	(tag) =	ssettag $0x1  }
0x1: {  	s12 =	rddreg [dreg:$0x1]  }
0x2: {  	s1 =	rddreg [dreg:$0x2]  }
0x3: {  	s2 =	rddreg [dreg:$0x3]  }
0x4: {  	s3 =	srdreg.scid;
	s0 =	rddreg [dreg:$0x4]  }
0x5: {  	s13 =	stileid.u32;
	s5 =	simm.s32 $0x0;
	s31 =	simm.s32 $0x13D80  }
0x6: {  	s28 =	simm.s32 $0xB;
	s29 =	simm.s32 $0xC;
	s7 =	smul.u32 $0x2710, s13  }
0x7: {  	s3 =	sand.u32 $0x1, s3;
	s9 =	smul.u32 $0x4E000, s13;
	[smem:$0x7FF] =	sst s5  }
0x8: {  	s11 =	smul.u32 $0x13800, s13;
	s17 =	sshll.u32 s13, $0x6;
	p0 =	sne.s32 s13, $0xF  }
0x9: {  	s6 =	smul.u32 $0x27100, s3;
	s8 =	ssub.s32 $0x2, s3;
	_ =	strace $0x80000047  }
0xa: {  	s3 =	smul.u32 $0x138800, s3;
	s20 =	sor.u32 $0x1C0D, s17;
	s10 =	sshrl.u32 s8, $0x1  }
0xb: {  	s14 =	sshrl.u32 s9, $0x2;
	s15 =	sshrl.u32 s11, $0x3;
	[dreg:$0x8] =	wrdreg s20  }
0xc: {  	s8 =	ssub.s32 s8, s10;
	s6 =	sadd.s32 s7, s6;
	s7 =	sadd.s32 s14, s0  }
0xd: {  	s16 =	sadd.s32 s1, s15;
	s1 =	sadd.s32 $0x27000, s1;
	[dreg:$0x6] =	wrdreg s7  }
0xe: {  	s18 =	sadd.s32 s11, s3;
	s3 =	sshrl.u32 s3, $0x3;
	[dreg:$0x7] =	wrdreg s16  }
0xf: {  	[dreg:$0x9] =	wrdreg s1;
	s19 =	sshrl.u32 s6, $0x3;
	s1 =	sshrl.u32 s18, $0x3  }
0x10: {  	s21 =	sadd.s32 s2, s3;
	s22 =	smax.u32 s8, $0x1;
	s23 =	sadd.s32 $0x460, s6  }
0x11: {  	s24 =	sadd.s32 $0x4E660, s6;
	s25 =	sadd.s32 $0x4B0, s6;
	s3 =	sadd.s32 $0x4E6B0, s6  }
0x12: {  	s8 =	sadd.s32 $0x4E5C0, s6;
	s1 =	sadd.s32 s2, s1;
	[dreg:$0xd] =	wrdreg s22  }
0x13: {  	s16 =	sadd.s32 $0x320, s6;
	s7 =	sadd.s32 s12, s19;
	[dreg:$0xb] =	wrdreg s1  }
0x14: {  	s30 =	sshrl.u32 s25, $0x3;
	s1 =	sadd.s32 $0x27000, s21;
	[dreg:$0xa] =	wrdreg s7  }
0x15: {  	s10 =	sshrl.u32 s8, $0x3;
	s2 =	sadd.s32 s30, s12;
	[dreg:$0xc] =	wrdreg s1  }
0x16: {  	s18 =	sshrl.u32 s16, $0x3;
	s11 =	sadd.s32 s10, s12;
	[dreg:$0x10] =	wrdreg s2  }
0x17: {  	s4 =	sadd.s32 $0x3C0, s6;
	s19 =	sadd.s32 s18, s12;
	[dreg:$0x13] =	wrdreg s11  }
0x18: {  	s14 =	sadd.s32 $0x410, s6;
	s30 =	sadd.s32 $0x280, s6;
	[dreg:$0x16] =	wrdreg s19  }
0x19: {  	s15 =	sadd.s32 $0x4E610, s6;
	s10 =	sadd.s32 $0x9C40, s7;
	[dreg:$0x1a] =	wrdreg s30  }
0x1a: {  	s26 =	sshrl.u32 s24, $0x3;
	s13 =	sadd.s32 $0x14, s7;
	[dreg:$0x1f] =	wrdreg s10  }
0x1b: {  	s17 =	sshrl.u32 s15, $0x3;
	s15 =	sadd.s32 $0x1E, s7;
	[smem:$0x7F0] =	sst s13  }
0x1c: {  	s9 =	sshrl.u32 s4, $0x3;
	s16 =	sadd.s32 $0x9C5E, s7;
	[smem:$0x7F2] =	sst s15  }
0x1d: {  	s22 =	sadd.s32 $0x370, s6;
	s18 =	sadd.s32 $0x9C68, s7;
	[smem:$0x7F3] =	sst s16  }
0x1e: {  	s24 =	sshrl.u32 s22, $0x3;
	s22 =	sadd.s32 $0x3C, s7;
	[smem:$0x7F5] =	sst s18  }
0x1f: {  	s4 =	sadd.s32 $0x4E4D0, s6;
	s11 =	sadd.s32 $0xA, s7;
	[smem:$0x7F8] =	sst s22  }
0x20: {  	s21 =	sadd.s32 $0x4E520, s6;
	s19 =	sadd.s32 $0x32, s7;
	[smem:$0x7EE] =	sst s11  }
0x21: {  	s1 =	sshrl.u32 s23, $0x3;
	s30 =	sadd.s32 $0xA118, s7;
	[smem:$0x7F6] =	sst s19  }
0x22: {  	s23 =	sadd.s32 $0x4E570, s6;
	s1 =	sadd.s32 s1, s12;
	[smem:$0x7FD] =	sst s30  }
0x23: {  	s25 =	sshrl.u32 s23, $0x3;
	s23 =	sadd.s32 $0x9C7C, s7;
	[dreg:$0xe] =	wrdreg s1  }
0x24: {  	s2 =	sadd.s32 $0x4E480, s6;
	s1 =	sadd.s32 s26, s12;
	[smem:$0x7F9] =	sst s23  }
0x25: {  	s22 =	simm.s32 $0xD;
	s26 =	sadd.s32 s25, s12;
	[dreg:$0xf] =	wrdreg s1  }
0x26: {  	s15 =	simm.s32 $0x4;
	s25 =	sadd.s32 $0x9C86, s7;
	[dreg:$0x19] =	wrdreg s26  }
0x27: {  	s1 =	sshrl.u32 s3, $0x3;
	[smem:$0x7FB] =	sst s25;
	s26 =	sadd.s32 $0x4D8, s7  }
0x28: {  	s18 =	simm.s32 $0x9;
	s1 =	sadd.s32 s1, s12;
	[smem:$0x7FC] =	sst s26  }
0x29: {  	s19 =	simm.s32 $0xA;
	[dreg:$0x11] =	wrdreg s1;
	s1 =	sadd.s32 s9, s12  }
0x2a: {  	s3 =	sadd.s32 $0x2D0, s6;
	s9 =	sadd.s32 $0x138000, s0;
	[dreg:$0x12] =	wrdreg s1  }
0x2b: {  	s1 =	sshrl.u32 s14, $0x3;
	[dreg:$0x1e] =	wrdreg s9;
	s14 =	sadd.s32 $0x9C54, s7  }
0x2c: {  	s25 =	simm.s32 $0x6;
	s1 =	sadd.s32 s1, s12;
	[smem:$0x7F1] =	sst s14  }
0x2d: {  	s26 =	simm.s32 $0x13C80;
	[dreg:$0x14] =	wrdreg s1;
	s1 =	sadd.s32 s17, s12  }
0x2e: {  	s0 =	simm.s32 $0x0;
	s17 =	sadd.s32 $0x28, s7;
	[dreg:$0x15] =	wrdreg s1  }
0x2f: {  	s1 =	sshrl.u32 s21, $0x3;
	[smem:$0x7F4] =	sst s17;
	s21 =	sadd.s32 $0x9C72, s7  }
0x30: {  	s9 =	simm.s32 $0x8;
	s1 =	sadd.s32 s1, s12;
	[smem:$0x7F7] =	sst s21  }
0x31: {  	[dreg:$0x17] =	wrdreg s1;
	s1 =	sadd.s32 s24, s12;
	s24 =	sadd.s32 $0x46, s7  }
0x32: {  	[dreg:$0x18] =	wrdreg s1;
	s1 =	sshrl.u32 s2, $0x3;
	s2 =	sshrl.u32 s3, $0x3  }
.Ltmp0:
0x33: {  	[smem:$0x7FA] =	sst s24;
	s1 =	sadd.s32 s1, s12;
	(pc) =	sbr.rel .LBB2_1-.Ltmp0, $4  }
0x34: {  	s3 =	sshrl.u32 s4, $0x3;
	s6 =	sadd.s32 s2, s12;
	[dreg:$0x1b] =	wrdreg s1  }
0x35: {  	s14 =	simm.s32 $0x3;
	s8 =	sadd.s32 s3, s12;
	[dreg:$0x1c] =	wrdreg s6  }
0x36: {  	s21 =	simm.s32 $0x13880;
	s12 =	sadd.s32 $0x9C4A, s7;
	[dreg:$0x1d] =	wrdreg s8  }
0x37: {  	s7 =	simm.s32 $0x7;
	[smem:$0x7EF] =	sst s12;
	s8 =	simm.s32 $0x50  }
.LBB2_4:
0x38: {  	_ =	swait.ge [sflag:s28], $0x2800  }
0x39: {  	[sflag:s28] =	ssyncset.done $0x0  }
0x3a: {  	[sflag:s28] =	ssyncadd.s32 $0xFFFFD800  }
0x3b: {  	s2 =	rddreg [dreg:$0x4]  }
0x3c: {  	[spmem:s2] =	stream.indirect.scatter.add.f32 [tilespmem:s1], [sflag:$0xB], $0x80, s31, s8, $0xb8;
	[tilespmem:$0x1E080] =	vst v63  }
0x3d: {  	_ =	swait.ge [sflag:s29], $0x2800  }
0x3e: {  	[sflag:s29] =	ssyncset.done $0x0  }
0x3f: {  	s16 =	simm.s32 $0x13E00;
	[sflag:s29] =	ssyncadd.s32 $0xFFFFD800  }
0x40: {  	[spmem:s2] =	stream.indirect.scatter.add.f32 [tilespmem:s17], [sflag:$0xC], $0x80, s16, s8, $0xb8;
	[tilespmem:$0x1E080] =	vst v63  }
0x41: {  	_ =	swait.ge [sflag:s18], $0x2800  }
0x42: {  	[sflag:s18] =	ssyncset.done $0x0  }
0x43: {  	[sflag:s18] =	ssyncadd.s32 $0xFFFFD800  }
0x44: {  	_ =	swait.ge [sflag:s19], $0x2800  }
0x45: {  	[sflag:s19] =	ssyncset.done $0x0  }
0x46: {  	[sflag:s19] =	ssyncadd.s32 $0xFFFFD800  }
0x47: {  	_ =	swait.ge [sflag:s28], $0x2800  }
0x48: {  	[sflag:s28] =	ssyncset.done $0x0  }
0x49: {  	[sflag:s28] =	ssyncadd.s32 $0xFFFFD800  }
0x4a: {  	_ =	swait.ge [sflag:s29], $0x2800  }
0x4b: {  	s11 =	sld [smem:$0x7FC]  }
0x4c: {  	[sflag:s29] =	ssyncset.done $0x0  }
0x4d: {  	s20 =	simm.s32 $0x13880;
	s22 =	simm.s32 $0xD;
	[sflag:s29] =	ssyncadd.s32 $0xFFFFD800  }
0x4e: {  	[tilespmem:s20], [sflag:$0xD] =	stream.linear.gather [hbm4b:s11+s5], $0x50, $0x38;
	[tilespmem:$0x1E080] =	vst v63  }
0x4f: {  	_ =	swait.ge [sflag:s22], $0x50  }
0x50: {  	s17 =	sld [smem:$0x7FD]  }
0x51: {  	[sflag:s22] =	ssyncset.done $0x0  }
0x52: {  	s26 =	simm.s32 $0x13C80;
	[sflag:s22] =	ssyncadd.s32 $0xFFFFFFB0  }
0x53: {  	[tilespmem:s26], [sflag:$0xD] =	stream.linear.gather [hbm4b:s17+s5], $0x50, $0x38;
	[tilespmem:$0x1E080] =	vst v63  }
0x54: {  	_ =	swait.ge [sflag:s22], $0x50  }
0x55: {  	[sflag:s22] =	ssyncset.done $0x0  }
0x56: {  	[sflag:s22] =	ssyncadd.s32 $0xFFFFFFB0  }
0x57: {  	s21 =	simm.s32 $0x14080;
	s0 =	rddreg [dreg:$0x0]  }
0x58: {  	[tilespmem:s21], [sflag:$0x9] =	stream.indirect.gather [hbm4b:s0+s8], $0x80, s20, s8, $0xb8;
	[tilespmem:$0x1E080] =	vst v63  }
0x59: {  	_ =	swait.ge [sflag:s18], $0x2800  }
0x5a: {  	[sflag:s18] =	ssyncset.done $0x0  }
0x5b: {  	[sflag:s18] =	ssyncadd.s32 $0xFFFFD800  }
0x5c: {  	[spmem:s2] =	stream.indirect.scatter.add.f32 [tilespmem:s21], [sflag:$0xD], $0x80, s26, s8, $0xb8;
	[tilespmem:$0x1E080] =	vst v63  }
0x5d: {  	_ =	swait.ge [sflag:s22], $0x2800  }
0x5e: {  	[sflag:s22] =	ssyncset.done $0x0  }
0x5f: {  	[sflag:s22] =	ssyncadd.s32 $0xFFFFD800  }
0x60: {  	[bflag:$0x0] =	sbarrier.arrive $0xFFFF  }
0x61: {  	s24 =	sld [smem:$0x7EC]  }
0x62: {  	s20 =	rddreg [dreg:$0x8]  }
0x63: {  	s23 =	rddreg [dreg:$0xb]  }
0x64: {  	[hbm:s23], [sflag:s20] =	dma.local [spmem:s24], $0x2700  }
0x65: {  	_ =	swait.ge [sflag:s22], $0x2700  }
0x66: {  	s0 =	sld [smem:$0x7ED]  }
0x67: {  	[sflag:s22] =	ssyncset.done $0x0  }
0x68: {  	s11 =	rddreg [dreg:$0xc];
	[sflag:s22] =	ssyncadd.s32 $0xFFFFD900  }
0x69: {  	[hbm:s11], [sflag:s20] =	dma.local @!p0 [spmem:s0], $0x100  }
0x6a: {  	s11 =	simm.s32 @!p0 $0xD  }
0x6b: {  	_ =	swait.ge @!p0 [sflag:s11], $0x100  }
0x6c: {  	s30 =	sld [smem:$0x7EB];
	_ =	sdelay $0x2  }
0x6d: {  	s21 =	rddreg [dreg:$0xd];
	s0 =	sadd.s32 $0x1, s30  }
0x6e: {  	p1 =	sne.s32 s0, s21  }
.Ltmp1:
0x6f: {  	_ = 	snop;
	(pc) =	sbr.rel @!p1 .LBB2_5-.Ltmp1, $3  }
0x70: {  	_ =	sdelay $0x1  }
0x71: {  	[sflag:s11] =	ssyncset.done @!p0 $0x0  }
0x72: {  	[sflag:s11] =	ssyncadd.s32 @!p0 $0xFFFFFF00;
	s21 =	simm.s32 $0x13880  }
.LBB2_1:
0x73: {  	[smem:$0x7EB] =	sst s0  }
0x74: {  	s11 =	rddreg [dreg:$0x6]  }
0x75: {  	s13 =	rddreg [dreg:$0x7];
	s12 =	sshrl.u32 s11, $0x3  }
0x76: {  	[smem:$0x7EC] =	sst s12  }
0x77: {  	[spmem:s12], [sflag:s20] =	dma.local [hbm:s13], $0x2700  }
0x78: {  	_ =	swait.ge [sflag:s22], $0x2700  }
0x79: {  	s11 =	rddreg [dreg:$0x1e]  }
0x7a: {  	[sflag:s22] =	ssyncset.done $0x0;
	s0 =	sshrl.u32 @!p0 s11, $0x3;
	s11 =	rddreg [dreg:$0x9]  }
0x7b: {  	[sflag:s22] =	ssyncadd.s32 $0xFFFFD900;
	[smem:$0x7ED] =	sst s0  }
0x7c: {  	[spmem:s0], [sflag:s20] =	dma.local @!p0 [hbm:s11], $0x100  }
0x7d: {  	s11 =	simm.s32 @!p0 $0xD  }
0x7e: {  	_ =	swait.ge @!p0 [sflag:s11], $0x100  }
0x7f: {  	[sflag:s11] =	ssyncset.done @!p0 $0x0;
	s16 =	rddreg [dreg:$0xa]  }
0x80: {  	s17 =	rddreg [dreg:$0x1f];
	[sflag:s11] =	ssyncadd.s32 @!p0 $0xFFFFFF00  }
0x81: {  	[tilespmem:s21], [sflag:$0x1] =	stream.linear.gather [hbm4b:s16+s5], $0x50, $0x38;
	[tilespmem:$0x1E080] =	vst v63  }
0x82: {  	s20 =	sld [smem:$0x7EE]  }
0x83: {  	[tilespmem:s26], [sflag:$0x1] =	stream.linear.gather [hbm4b:s17+s5], $0x50, $0x38;
	[tilespmem:$0x1E080] =	vst v63  }
0x84: {  	s23 =	sld [smem:$0x7EF];
	s21 =	simm.s32 $0x13900  }
0x85: {  	[tilespmem:s21], [sflag:$0x2] =	stream.linear.gather [hbm4b:s20+s5], $0x50, $0x38;
	[tilespmem:$0x1E080] =	vst v63  }
0x86: {  	s3 =	simm.s32 $0x13D00;
	s2 =	sld [smem:$0x7F0]  }
0x87: {  	[tilespmem:s3], [sflag:$0x2] =	stream.linear.gather [hbm4b:s23+s5], $0x50, $0x38;
	[tilespmem:$0x1E080] =	vst v63  }
0x88: {  	s4 =	sld [smem:$0x7F1];
	s23 =	simm.s32 $0x13980  }
0x89: {  	[tilespmem:s23], [sflag:$0x3] =	stream.linear.gather [hbm4b:s2+s5], $0x50, $0x38;
	[tilespmem:$0x1E080] =	vst v63  }
0x8a: {  	s6 =	sld [smem:$0x7F2]  }
0x8b: {  	[tilespmem:s31], [sflag:$0x3] =	stream.linear.gather [hbm4b:s4+s5], $0x50, $0x38;
	[tilespmem:$0x1E080] =	vst v63  }
0x8c: {  	s10 =	simm.s32 $0x13A00;
	s16 =	sld [smem:$0x7F3]  }
0x8d: {  	[tilespmem:s10], [sflag:$0x4] =	stream.linear.gather [hbm4b:s6+s5], $0x50, $0x38;
	[tilespmem:$0x1E080] =	vst v63  }
0x8e: {  	s30 =	simm.s32 $0x13E00;
	s2 =	simm.s32 $0x1  }
0x8f: {  	[tilespmem:s30], [sflag:$0x4] =	stream.linear.gather [hbm4b:s16+s5], $0x50, $0x38;
	[tilespmem:$0x1E080] =	vst v63  }
0x90: {  	_ =	swait.ge [sflag:s2], $0x50  }
0x91: {  	[sflag:s2] =	ssyncset.done $0x0  }
0x92: {  	[sflag:s2] =	ssyncadd.s32 $0xFFFFFFB0  }
0x93: {  	_ =	swait.ge [sflag:s2], $0x50  }
0x94: {  	[sflag:s2] =	ssyncset.done $0x0  }
0x95: {  	s17 =	simm.s32 $0x2;
	[sflag:s2] =	ssyncadd.s32 $0xFFFFFFB0  }
0x96: {  	_ =	swait.ge [sflag:s17], $0x50  }
0x97: {  	[sflag:s17] =	ssyncset.done $0x0  }
0x98: {  	[sflag:s17] =	ssyncadd.s32 $0xFFFFFFB0  }
0x99: {  	_ =	swait.ge [sflag:s17], $0x50  }
0x9a: {  	[sflag:s17] =	ssyncset.done $0x0  }
0x9b: {  	[sflag:s17] =	ssyncadd.s32 $0xFFFFFFB0  }
0x9c: {  	s24 =	simm.s32 $0x13880;
	s12 =	simm.s32 $0x14080;
	s0 =	rddreg [dreg:$0x0]  }
0x9d: {  	[tilespmem:s12], [sflag:$0x9] =	stream.indirect.gather [hbm4b:s0+s8], $0x80, s24, s8, $0xb8;
	[tilespmem:$0x1E080] =	vst v63  }
0x9e: {  	s1 =	simm.s32 $0x16880  }
0x9f: {  	[tilespmem:s1], [sflag:$0xA] =	stream.indirect.gather [hbm4b:s0+s8], $0x80, s21, s8, $0xb8;
	[tilespmem:$0x1E080] =	vst v63  }
0xa0: {  	[bflag:$0x0] =	sbarrier.arrive $0xFFFF  }
0xa1: {  	_ =	swait.ge [sflag:s14], $0x50  }
0xa2: {  	[sflag:s14] =	ssyncset.done $0x0  }
0xa3: {  	[sflag:s14] =	ssyncadd.s32 $0xFFFFFFB0  }
0xa4: {  	_ =	swait.ge [sflag:s14], $0x50  }
0xa5: {  	[sflag:s14] =	ssyncset.done $0x0  }
0xa6: {  	[sflag:s14] =	ssyncadd.s32 $0xFFFFFFB0  }
0xa7: {  	_ =	swait.ge [sflag:s15], $0x50  }
0xa8: {  	[sflag:s15] =	ssyncset.done $0x0  }
0xa9: {  	[sflag:s15] =	ssyncadd.s32 $0xFFFFFFB0  }
0xaa: {  	_ =	swait.ge [sflag:s15], $0x50  }
0xab: {  	[sflag:s15] =	ssyncset.done $0x0  }
0xac: {  	s1 =	simm.s32 $0x19080;
	[sflag:s15] =	ssyncadd.s32 $0xFFFFFFB0  }
0xad: {  	[tilespmem:s1], [sflag:$0xB] =	stream.indirect.gather [hbm4b:s0+s8], $0x80, s23, s8, $0xb8;
	[tilespmem:$0x1E080] =	vst v63  }
0xae: {  	s13 =	simm.s32 $0x1B880  }
0xaf: {  	[tilespmem:s13], [sflag:$0xC] =	stream.indirect.gather [hbm4b:s0+s8], $0x80, s10, s8, $0xb8;
	[tilespmem:$0x1E080] =	vst v63  }
0xb0: {  	_ =	swait.ge [sflag:s18], $0x2800  }
0xb1: {  	[sflag:s18] =	ssyncset.done $0x0  }
0xb2: {  	[sflag:s18] =	ssyncadd.s32 $0xFFFFD800  }
0xb3: {  	s4 =	rddreg [dreg:$0x4]  }
0xb4: {  	[spmem:s4] =	stream.indirect.scatter.add.f32 [tilespmem:s12], [sflag:$0x9], $0x80, s26, s8, $0xb8;
	[tilespmem:$0x1E080] =	vst v63  }
0xb5: {  	_ =	swait.ge [sflag:s19], $0x2800  }
0xb6: {  	[sflag:s19] =	ssyncset.done $0x0  }
0xb7: {  	s23 =	simm.s32 $0x16880;
	s22 =	sld [smem:$0x7F4];
	[sflag:s19] =	ssyncadd.s32 $0xFFFFD800  }
0xb8: {  	[spmem:s4] =	stream.indirect.scatter.add.f32 [tilespmem:s23], [sflag:$0xA], $0x80, s3, s8, $0xb8;
	[tilespmem:$0x1E080] =	vst v63  }
0xb9: {  	s24 =	simm.s32 $0x13A80;
	s10 =	sld [smem:$0x7F5]  }
0xba: {  	[tilespmem:s24], [sflag:$0x5] =	stream.linear.gather [hbm4b:s22+s5], $0x50, $0x38;
	[tilespmem:$0x1E080] =	vst v63  }
0xbb: {  	s16 =	sld [smem:$0x7F6];
	s3 =	simm.s32 $0x13E80  }
0xbc: {  	[tilespmem:s3], [sflag:$0x5] =	stream.linear.gather [hbm4b:s10+s5], $0x50, $0x38;
	[tilespmem:$0x1E080] =	vst v63  }
0xbd: {  	s17 =	simm.s32 $0x13B00;
	s21 =	sld [smem:$0x7F7]  }
0xbe: {  	[tilespmem:s17], [sflag:$0x6] =	stream.linear.gather [hbm4b:s16+s5], $0x50, $0x38;
	[tilespmem:$0x1E080] =	vst v63  }
0xbf: {  	s6 =	simm.s32 $0x13F00  }
0xc0: {  	[tilespmem:s6], [sflag:$0x6] =	stream.linear.gather [hbm4b:s21+s5], $0x50, $0x38;
	[tilespmem:$0x1E080] =	vst v63  }
0xc1: {  	_ =	swait.ge [sflag:s18], $0x2800  }
0xc2: {  	[sflag:s18] =	ssyncset.done $0x0  }
0xc3: {  	[sflag:s18] =	ssyncadd.s32 $0xFFFFD800  }
0xc4: {  	_ =	swait.ge [sflag:s19], $0x2800  }
0xc5: {  	[sflag:s19] =	ssyncset.done $0x0  }
0xc6: {  	s10 =	simm.s32 $0x5;
	[sflag:s19] =	ssyncadd.s32 $0xFFFFD800  }
0xc7: {  	_ =	swait.ge [sflag:s10], $0x50  }
0xc8: {  	[sflag:s10] =	ssyncset.done $0x0  }
0xc9: {  	[sflag:s10] =	ssyncadd.s32 $0xFFFFFFB0  }
0xca: {  	_ =	swait.ge [sflag:s10], $0x50  }
0xcb: {  	[sflag:s10] =	ssyncset.done $0x0  }
0xcc: {  	[sflag:s10] =	ssyncadd.s32 $0xFFFFFFB0  }
0xcd: {  	_ =	swait.ge [sflag:s25], $0x50  }
0xce: {  	[sflag:s25] =	ssyncset.done $0x0  }
0xcf: {  	[sflag:s25] =	ssyncadd.s32 $0xFFFFFFB0  }
0xd0: {  	_ =	swait.ge [sflag:s25], $0x50  }
0xd1: {  	[sflag:s25] =	ssyncset.done $0x0  }
0xd2: {  	[sflag:s25] =	ssyncadd.s32 $0xFFFFFFB0  }
0xd3: {  	[tilespmem:s12], [sflag:$0x9] =	stream.indirect.gather [hbm4b:s0+s8], $0x80, s24, s8, $0xb8;
	[tilespmem:$0x1E080] =	vst v63  }
0xd4: {  	_ = 	snop  }
0xd5: {  	[tilespmem:s23], [sflag:$0xA] =	stream.indirect.gather [hbm4b:s0+s8], $0x80, s17, s8, $0xb8;
	[tilespmem:$0x1E080] =	vst v63  }
0xd6: {  	_ =	swait.ge [sflag:s28], $0x2800  }
0xd7: {  	[sflag:s28] =	ssyncset.done $0x0  }
0xd8: {  	[sflag:s28] =	ssyncadd.s32 $0xFFFFD800  }
0xd9: {  	[spmem:s4] =	stream.indirect.scatter.add.f32 [tilespmem:s1], [sflag:$0xB], $0x80, s31, s8, $0xb8;
	[tilespmem:$0x1E080] =	vst v63  }
0xda: {  	_ =	swait.ge [sflag:s29], $0x2800  }
0xdb: {  	[sflag:s29] =	ssyncset.done $0x0  }
0xdc: {  	s22 =	sld [smem:$0x7F8];
	[sflag:s29] =	ssyncadd.s32 $0xFFFFD800  }
0xdd: {  	[spmem:s4] =	stream.indirect.scatter.add.f32 [tilespmem:s13], [sflag:$0xC], $0x80, s30, s8, $0xb8;
	[tilespmem:$0x1E080] =	vst v63  }
0xde: {  	s2 =	simm.s32 $0x13B80;
	s24 =	sld [smem:$0x7F9]  }
0xdf: {  	[tilespmem:s2], [sflag:$0x7] =	stream.linear.gather [hbm4b:s22+s5], $0x50, $0x38;
	[tilespmem:$0x1E080] =	vst v63  }
0xe0: {  	s16 =	simm.s32 $0x13F80;
	s30 =	sld [smem:$0x7FA]  }
0xe1: {  	[tilespmem:s16], [sflag:$0x7] =	stream.linear.gather [hbm4b:s24+s5], $0x50, $0x38;
	[tilespmem:$0x1E080] =	vst v63  }
0xe2: {  	s0 =	simm.s32 $0x13C00;
	s31 =	sld [smem:$0x7FB]  }
0xe3: {  	[tilespmem:s0], [sflag:$0x8] =	stream.linear.gather [hbm4b:s30+s5], $0x50, $0x38;
	[tilespmem:$0x1E080] =	vst v63  }
0xe4: {  	s20 =	simm.s32 $0x0;
	s11 =	rddreg [dreg:$0x1a];
	s4 =	simm.s32 $0x14000  }
0xe5: {  	[tilespmem:s4], [sflag:$0x8] =	stream.linear.gather [hbm4b:s31+s5], $0x50, $0x38;
	[tilespmem:$0x1E080] =	vst v63  }
.LBB2_2:
0xe6: {  	_ =	swait.ge [sflag:s28], $0x2800  }
0xe7: {  	[sflag:s28] =	ssyncset.done $0x0  }
0xe8: {  	[sflag:s28] =	ssyncadd.s32 $0xFFFFD800  }
0xe9: {  	_ =	swait.ge [sflag:s29], $0x2800  }
0xea: {  	[sflag:s29] =	ssyncset.done $0x0  }
0xeb: {  	[sflag:s29] =	ssyncadd.s32 $0xFFFFD800  }
0xec: {  	_ =	swait.ge [sflag:s7], $0x50  }
0xed: {  	[sflag:s7] =	ssyncset.done $0x0  }
0xee: {  	[sflag:s7] =	ssyncadd.s32 $0xFFFFFFB0  }
0xef: {  	_ =	swait.ge [sflag:s7], $0x50  }
0xf0: {  	[sflag:s7] =	ssyncset.done $0x0  }
0xf1: {  	[sflag:s7] =	ssyncadd.s32 $0xFFFFFFB0  }
0xf2: {  	_ =	swait.ge [sflag:s9], $0x50  }
0xf3: {  	[sflag:s9] =	ssyncset.done $0x0  }
0xf4: {  	[sflag:s9] =	ssyncadd.s32 $0xFFFFFFB0  }
0xf5: {  	_ =	swait.ge [sflag:s9], $0x50  }
0xf6: {  	[sflag:s9] =	ssyncset.done $0x0  }
0xf7: {  	[sflag:s9] =	ssyncadd.s32 $0xFFFFFFB0  }
0xf8: {  	s17 =	simm.s32 $0x19080;
	s10 =	rddreg [dreg:$0x0]  }
0xf9: {  	[tilespmem:s17], [sflag:$0xB] =	stream.indirect.gather [hbm4b:s10+s8], $0x80, s2, s8, $0xb8;
	[tilespmem:$0x1E080] =	vst v63  }
0xfa: {  	s13 =	simm.s32 $0x1B880  }
0xfb: {  	[tilespmem:s13], [sflag:$0xC] =	stream.indirect.gather [hbm4b:s10+s8], $0x80, s0, s8, $0xb8;
	[tilespmem:$0x1E080] =	vst v63  }
0xfc: {  	_ =	swait.ge [sflag:s18], $0x2800  }
0xfd: {  	[sflag:s18] =	ssyncset.done $0x0  }
0xfe: {  	[sflag:s18] =	ssyncadd.s32 $0xFFFFD800  }
0xff: {  	s12 =	simm.s32 $0x14080;
	s24 =	rddreg [dreg:$0x4]  }
0x100: {  	[spmem:s24] =	stream.indirect.scatter.add.f32 [tilespmem:s12], [sflag:$0x9], $0x80, s3, s8, $0xb8;
	[tilespmem:$0x1E080] =	vst v63  }
0x101: {  	_ =	swait.ge [sflag:s19], $0x2800  }
0x102: {  	[sflag:s19] =	ssyncset.done $0x0  }
0x103: {  	[sflag:s19] =	ssyncadd.s32 $0xFFFFD800  }
0x104: {  	[spmem:s24] =	stream.indirect.scatter.add.f32 [tilespmem:s23], [sflag:$0xA], $0x80, s6, s8, $0xb8;
	[tilespmem:$0x1E080] =	vst v63  }
0x105: {  	s21 =	sshrl.u32 s11, $0x3;
	s22 =	rddreg [dreg:$0x1]  }
0x106: {  	s31 =	simm.s32 $0x13880;
	s21 =	sadd.s32 s22, s21;
	s22 =	rddreg [dreg:$0x1b]  }
0x107: {  	[tilespmem:s31], [sflag:$0x1] =	stream.linear.gather [hbm4b:s21+s5], $0x50, $0x38;
	[tilespmem:$0x1E080] =	vst v63  }
0x108: {  	s23 =	rddreg [dreg:$0x1c];
	s21 =	sadd.s32 s20, s22  }
0x109: {  	[tilespmem:s26], [sflag:$0x1] =	stream.linear.gather [hbm4b:s21+s5], $0x50, $0x38;
	[tilespmem:$0x1E080] =	vst v63  }
0x10a: {  	s22 =	simm.s32 $0x13900;
	s21 =	sadd.s32 s20, s23;
	s26 =	rddreg [dreg:$0x1d]  }
0x10b: {  	[tilespmem:s22], [sflag:$0x2] =	stream.linear.gather [hbm4b:s21+s5], $0x50, $0x38;
	[tilespmem:$0x1E080] =	vst v63  }
0x10c: {  	s21 =	sadd.s32 s20, s26;
	s26 =	simm.s32 $0x13D00  }
0x10d: {  	[tilespmem:s26], [sflag:$0x2] =	stream.linear.gather [hbm4b:s21+s5], $0x50, $0x38;
	[tilespmem:$0x1E080] =	vst v63  }
0x10e: {  	_ =	swait.ge [sflag:s18], $0x2800  }
0x10f: {  	[sflag:s18] =	ssyncset.done $0x0  }
0x110: {  	[sflag:s18] =	ssyncadd.s32 $0xFFFFD800  }
0x111: {  	_ =	swait.ge [sflag:s19], $0x2800  }
0x112: {  	[sflag:s19] =	ssyncset.done $0x0  }
0x113: {  	s30 =	simm.s32 $0x1;
	[sflag:s19] =	ssyncadd.s32 $0xFFFFD800  }
0x114: {  	_ =	swait.ge [sflag:s30], $0x50  }
0x115: {  	[sflag:s30] =	ssyncset.done $0x0  }
0x116: {  	[sflag:s30] =	ssyncadd.s32 $0xFFFFFFB0  }
0x117: {  	_ =	swait.ge [sflag:s30], $0x50  }
0x118: {  	[sflag:s30] =	ssyncset.done $0x0  }
0x119: {  	[sflag:s30] =	ssyncadd.s32 $0xFFFFFFB0;
	s30 =	simm.s32 $0x2  }
0x11a: {  	_ =	swait.ge [sflag:s30], $0x50  }
0x11b: {  	[sflag:s30] =	ssyncset.done $0x0  }
0x11c: {  	[sflag:s30] =	ssyncadd.s32 $0xFFFFFFB0  }
0x11d: {  	_ =	swait.ge [sflag:s30], $0x50  }
0x11e: {  	[sflag:s30] =	ssyncset.done $0x0  }
0x11f: {  	[sflag:s30] =	ssyncadd.s32 $0xFFFFFFB0  }
0x120: {  	[tilespmem:s12], [sflag:$0x9] =	stream.indirect.gather [hbm4b:s10+s8], $0x80, s31, s8, $0xb8;
	[tilespmem:$0x1E080] =	vst v63  }
0x121: {  	s1 =	simm.s32 $0x16880  }
0x122: {  	[tilespmem:s1], [sflag:$0xA] =	stream.indirect.gather [hbm4b:s10+s8], $0x80, s22, s8, $0xb8;
	[tilespmem:$0x1E080] =	vst v63  }
0x123: {  	_ =	swait.ge [sflag:s28], $0x2800  }
0x124: {  	[sflag:s28] =	ssyncset.done $0x0  }
0x125: {  	[sflag:s28] =	ssyncadd.s32 $0xFFFFD800  }
0x126: {  	[spmem:s24] =	stream.indirect.scatter.add.f32 [tilespmem:s17], [sflag:$0xB], $0x80, s16, s8, $0xb8;
	[tilespmem:$0x1E080] =	vst v63  }
0x127: {  	_ =	swait.ge [sflag:s29], $0x2800  }
0x128: {  	[sflag:s29] =	ssyncset.done $0x0  }
0x129: {  	[sflag:s29] =	ssyncadd.s32 $0xFFFFD800  }
0x12a: {  	[spmem:s24] =	stream.indirect.scatter.add.f32 [tilespmem:s13], [sflag:$0xC], $0x80, s4, s8, $0xb8;
	[tilespmem:$0x1E080] =	vst v63  }
0x12b: {  	s4 =	rddreg [dreg:$0x16]  }
0x12c: {  	s22 =	simm.s32 $0x13980;
	s16 =	rddreg [dreg:$0x17];
	s21 =	sadd.s32 s20, s4  }
0x12d: {  	[tilespmem:s22], [sflag:$0x3] =	stream.linear.gather [hbm4b:s21+s5], $0x50, $0x38;
	[tilespmem:$0x1E080] =	vst v63  }
0x12e: {  	s31 =	simm.s32 $0x13D80;
	s30 =	rddreg [dreg:$0x18];
	s21 =	sadd.s32 s20, s16  }
0x12f: {  	[tilespmem:s31], [sflag:$0x3] =	stream.linear.gather [hbm4b:s21+s5], $0x50, $0x38;
	[tilespmem:$0x1E080] =	vst v63  }
0x130: {  	s1 =	rddreg [dreg:$0x19];
	s21 =	sadd.s32 s20, s30;
	s30 =	simm.s32 $0x13A00  }
0x131: {  	[tilespmem:s30], [sflag:$0x4] =	stream.linear.gather [hbm4b:s21+s5], $0x50, $0x38;
	[tilespmem:$0x1E080] =	vst v63  }
0x132: {  	s21 =	sadd.s32 s20, s1;
	s1 =	simm.s32 $0x13E00  }
0x133: {  	[tilespmem:s1], [sflag:$0x4] =	stream.linear.gather [hbm4b:s21+s5], $0x50, $0x38;
	[tilespmem:$0x1E080] =	vst v63  }
0x134: {  	_ =	swait.ge [sflag:s28], $0x2800  }
0x135: {  	[sflag:s28] =	ssyncset.done $0x0  }
0x136: {  	[sflag:s28] =	ssyncadd.s32 $0xFFFFD800  }
0x137: {  	_ =	swait.ge [sflag:s29], $0x2800  }
0x138: {  	[sflag:s29] =	ssyncset.done $0x0  }
0x139: {  	[sflag:s29] =	ssyncadd.s32 $0xFFFFD800  }
0x13a: {  	_ =	swait.ge [sflag:s14], $0x50  }
0x13b: {  	[sflag:s14] =	ssyncset.done $0x0  }
0x13c: {  	[sflag:s14] =	ssyncadd.s32 $0xFFFFFFB0  }
0x13d: {  	_ =	swait.ge [sflag:s14], $0x50  }
0x13e: {  	[sflag:s14] =	ssyncset.done $0x0  }
0x13f: {  	[sflag:s14] =	ssyncadd.s32 $0xFFFFFFB0  }
0x140: {  	_ =	swait.ge [sflag:s15], $0x50  }
0x141: {  	[sflag:s15] =	ssyncset.done $0x0  }
0x142: {  	[sflag:s15] =	ssyncadd.s32 $0xFFFFFFB0  }
0x143: {  	_ =	swait.ge [sflag:s15], $0x50  }
0x144: {  	[sflag:s15] =	ssyncset.done $0x0  }
0x145: {  	[sflag:s15] =	ssyncadd.s32 $0xFFFFFFB0  }
0x146: {  	[tilespmem:s17], [sflag:$0xB] =	stream.indirect.gather [hbm4b:s10+s8], $0x80, s22, s8, $0xb8;
	[tilespmem:$0x1E080] =	vst v63  }
0x147: {  	_ = 	snop  }
0x148: {  	[tilespmem:s13], [sflag:$0xC] =	stream.indirect.gather [hbm4b:s10+s8], $0x80, s30, s8, $0xb8;
	[tilespmem:$0x1E080] =	vst v63  }
0x149: {  	_ =	swait.ge [sflag:s18], $0x2800  }
0x14a: {  	p1 =	seq.s32 s20, $0x460;
	s2 =	simm.s32 $0x13B80;
	[sflag:s18] =	ssyncset.done $0x0  }
0x14b: {  	s0 =	simm.s32 $0x13C00;
	s23 =	simm.s32 $0x13C80;
	[sflag:s18] =	ssyncadd.s32 $0xFFFFD800  }
0x14c: {  	[spmem:s24] =	stream.indirect.scatter.add.f32 [tilespmem:s12], [sflag:$0x9], $0x80, s23, s8, $0xb8;
	[tilespmem:$0x1E080] =	vst v63  }
.Ltmp2:
0x14d: {  	s3 =	simm.s32 $0x13E80;
	s6 =	simm.s32 $0x13F00;
	(pc) =	sbr.rel @p1 .LBB2_4-.Ltmp2, $4  }
0x14e: {  	s4 =	simm.s32 $0x14000;
	s16 =	simm.s32 $0x13F80;
	_ =	swait.ge [sflag:s19], $0x2800  }
0x14f: {  	s1 =	simm.s32 $0x19080;
	s17 =	simm.s32 $0x1B880;
	[sflag:s19] =	ssyncset.done $0x0  }
0x150: {  	s13 =	simm.s32 $0x14080;
	s23 =	simm.s32 $0x16880;
	[sflag:s19] =	ssyncadd.s32 $0xFFFFD800  }
0x151: {  	[spmem:s24] =	stream.indirect.scatter.add.f32 [tilespmem:s23], [sflag:$0xA], $0x80, s26, s8, $0xb8;
	[tilespmem:$0x1E080] =	vst v63  }
0x152: {  	s21 =	rddreg [dreg:$0x12]  }
0x153: {  	s22 =	simm.s32 $0x13A80;
	s12 =	rddreg [dreg:$0x13];
	s21 =	sadd.s32 s20, s21  }
0x154: {  	[tilespmem:s22], [sflag:$0x5] =	stream.linear.gather [hbm4b:s21+s5], $0x50, $0x38;
	[tilespmem:$0x1E080] =	vst v63  }
0x155: {  	s24 =	rddreg [dreg:$0x14];
	s21 =	sadd.s32 s20, s12  }
0x156: {  	[tilespmem:s3], [sflag:$0x5] =	stream.linear.gather [hbm4b:s21+s5], $0x50, $0x38;
	[tilespmem:$0x1E080] =	vst v63  }
0x157: {  	s26 =	simm.s32 $0x13B00;
	s30 =	rddreg [dreg:$0x15];
	s21 =	sadd.s32 s20, s24  }
0x158: {  	[tilespmem:s26], [sflag:$0x6] =	stream.linear.gather [hbm4b:s21+s5], $0x50, $0x38;
	[tilespmem:$0x1E080] =	vst v63  }
0x159: {  	s21 =	sadd.s32 s20, s30  }
0x15a: {  	[tilespmem:s6], [sflag:$0x6] =	stream.linear.gather [hbm4b:s21+s5], $0x50, $0x38;
	[tilespmem:$0x1E080] =	vst v63  }
0x15b: {  	_ =	swait.ge [sflag:s18], $0x2800  }
0x15c: {  	[sflag:s18] =	ssyncset.done $0x0  }
0x15d: {  	[sflag:s18] =	ssyncadd.s32 $0xFFFFD800  }
0x15e: {  	_ =	swait.ge [sflag:s19], $0x2800  }
0x15f: {  	[sflag:s19] =	ssyncset.done $0x0  }
0x160: {  	s10 =	simm.s32 $0x5;
	[sflag:s19] =	ssyncadd.s32 $0xFFFFD800  }
0x161: {  	_ =	swait.ge [sflag:s10], $0x50  }
0x162: {  	[sflag:s10] =	ssyncset.done $0x0  }
0x163: {  	[sflag:s10] =	ssyncadd.s32 $0xFFFFFFB0  }
0x164: {  	_ =	swait.ge [sflag:s10], $0x50  }
0x165: {  	[sflag:s10] =	ssyncset.done $0x0  }
0x166: {  	[sflag:s10] =	ssyncadd.s32 $0xFFFFFFB0  }
0x167: {  	_ =	swait.ge [sflag:s25], $0x50  }
0x168: {  	[sflag:s25] =	ssyncset.done $0x0  }
0x169: {  	[sflag:s25] =	ssyncadd.s32 $0xFFFFFFB0  }
0x16a: {  	_ =	swait.ge [sflag:s25], $0x50  }
0x16b: {  	[sflag:s25] =	ssyncset.done $0x0  }
0x16c: {  	[sflag:s25] =	ssyncadd.s32 $0xFFFFFFB0  }
0x16d: {  	s12 =	rddreg [dreg:$0x0]  }
0x16e: {  	[tilespmem:s13], [sflag:$0x9] =	stream.indirect.gather [hbm4b:s12+s8], $0x80, s22, s8, $0xb8;
	[tilespmem:$0x1E080] =	vst v63  }
0x16f: {  	_ = 	snop  }
0x170: {  	[tilespmem:s23], [sflag:$0xA] =	stream.indirect.gather [hbm4b:s12+s8], $0x80, s26, s8, $0xb8;
	[tilespmem:$0x1E080] =	vst v63  }
0x171: {  	_ =	swait.ge [sflag:s28], $0x2800  }
0x172: {  	[sflag:s28] =	ssyncset.done $0x0  }
0x173: {  	[sflag:s28] =	ssyncadd.s32 $0xFFFFD800  }
0x174: {  	s21 =	rddreg [dreg:$0x4]  }
0x175: {  	[spmem:s21] =	stream.indirect.scatter.add.f32 [tilespmem:s1], [sflag:$0xB], $0x80, s31, s8, $0xb8;
	[tilespmem:$0x1E080] =	vst v63  }
0x176: {  	_ =	swait.ge [sflag:s29], $0x2800  }
0x177: {  	s11 =	sadd.s32 $0x280, s11;
	[sflag:s29] =	ssyncset.done $0x0;
	s24 =	rddreg [dreg:$0xe]  }
0x178: {  	s22 =	simm.s32 $0x13E00;
	s26 =	rddreg [dreg:$0xf];
	[sflag:s29] =	ssyncadd.s32 $0xFFFFD800  }
0x179: {  	[spmem:s21] =	stream.indirect.scatter.add.f32 [tilespmem:s17], [sflag:$0xC], $0x80, s22, s8, $0xb8;
	[tilespmem:$0x1E080] =	vst v63  }
0x17a: {  	s3 =	simm.s32 $0x13E80;
	s30 =	rddreg [dreg:$0x10];
	s21 =	sadd.s32 s20, s24  }
0x17b: {  	[tilespmem:s2], [sflag:$0x7] =	stream.linear.gather [hbm4b:s21+s5], $0x50, $0x38;
	[tilespmem:$0x1E080] =	vst v63  }
0x17c: {  	s6 =	simm.s32 $0x13F00;
	s31 =	rddreg [dreg:$0x11];
	s21 =	sadd.s32 s20, s26  }
0x17d: {  	[tilespmem:s16], [sflag:$0x7] =	stream.linear.gather [hbm4b:s21+s5], $0x50, $0x38;
	[tilespmem:$0x1E080] =	vst v63  }
.Ltmp3:
0x17e: {  	s26 =	simm.s32 $0x13C80;
	s21 =	sadd.s32 s20, s30;
	(pc) =	sbr.rel .LBB2_2-.Ltmp3, $4  }
0x17f: {  	[tilespmem:s0], [sflag:$0x8] =	stream.linear.gather [hbm4b:s21+s5], $0x50, $0x38;
	[tilespmem:$0x1E080] =	vst v63  }
0x180: {  	s2 =	simm.s32 $0x13B80;
	s16 =	simm.s32 $0x13F80;
	s21 =	sadd.s32 s20, s31  }
0x181: {  	[tilespmem:s4], [sflag:$0x8] =	stream.linear.gather [hbm4b:s21+s5], $0x50, $0x38;
	[tilespmem:$0x1E080] =	vst v63  }
0x182: {  	s20 =	sadd.s32 $0x50, s20;
	s0 =	simm.s32 $0x13C00;
	s4 =	simm.s32 $0x14000  }
.LBB2_5:
0x183: {  	_ =	sfence.sel $0x180000  }
0x184: {  	[bflag:$0x0] =	sbarrier.arrive $0xFFFF  }
0x185: {  	_ =	strace $0x90000047  }
0x186: {  	s0 =	stileid.u32;
	[bflag:$0x2] =	sbarrier.arrive $0xFFFF  }
0x187: {  	p0 =	sne.s32 s0, $0x0;
	s0 =	rddreg [dreg:$0x5]  }
0x188: {  	s0 =	sadd.s32 @!p0 $0x100000, s0  }
0x189: {  	[sflag:s0] =	ssyncadd.tile.s32 @!p0 $0x1;
	_ =	shalt  }
.Lfunc_end2:
_tile_overlayer_lowered:
.L_overlay_start_2:
0x18a: {  	(tag) =	ssettag $0x2  }
0x18b: {  	s0 =	rddreg [dreg:$0x0];
	s2 =	stileid.u32  }
0x18c: {  	s1 =	rddreg [dreg:$0x1];
	p0 =	sne.s32 s2, $0x0  }
0x18d: {  	s3 =	rddreg [dreg:$0x2];
	[bflag:$0x3] =	sbarrier.arrive $0xFFFF;
	s2 =	simm.s32 @!p0 $0x1C0D  }
0x18e: {  	[timem:s3], [sflag:s2] =	dma.local @!p0 [hbm:s0], s1  }
0x18f: {  	s0 =	simm.s32 @!p0 $0xD  }
0x190: {  	_ =	swait.ge @!p0 [sflag:s0], s1  }
0x191: {  	s1 =	ssub.s32 @!p0 $0x0, s1;
	[sflag:s0] =	ssyncset.done @!p0 $0x0  }
0x192: {  	[sflag:s0] =	ssyncadd.s32 @!p0 s1  }
0x193: {  	[bflag:$0x3] =	sbarrier.arrive $0xFFFF  }
0x194: {  	_ =	shalt  }

</sc_bundles>
